<compile_context>
chip_gen: v7x
topology: tpu7x:2x2x1
jax: 0.10.2.dev20260603
libtpu: 0.0.44.dev20260713+nightly
codegen_flags: <defaults>
</compile_context>

<pallas_src>
import functools

import jax
import jax.numpy as jnp
from jax import lax
from jax.experimental import pallas as pl
from jax.experimental.pallas import tpu as pltpu
from jax.experimental.pallas import tpu_sc as plsc

N = 10000
E = 160000
F = 256
H2 = 128
FH = 128
NC, NS = 2, 16
RPT = N // NS

EPW = E // (NC * NS)
KD = 40
NCHD = EPW // KD

EPT = E // NS
K = 80
NCHK = EPT // K

_MESH = plsc.VectorSubcoreMesh(core_axis_name="c", subcore_axis_name="s",
                               num_cores=NC, num_subcores=NS)


@functools.partial(
    pl.kernel,
    out_type=jax.ShapeDtypeStruct((NC * NS, RPT, 16), jnp.float32),
    mesh=_MESH,
    scratch_types=[
        pltpu.VMEM((NCHD, KD), jnp.int32),
        pltpu.VMEM((KD, 16), jnp.float32),
        pltpu.VMEM_SHARED((N, 16), jnp.float32),
    ],
    compiler_params=pltpu.CompilerParams(use_tc_tiling_on_sc=False),
)
def _sc_degree(dst_hbm, ones_hbm, zeros_hbm, out_hbm, dst_v, ones_v, acc):
    c = lax.axis_index("c")
    s = lax.axis_index("s")
    wid = c * NS + s
    pltpu.sync_copy(dst_hbm.at[wid], dst_v)
    pltpu.sync_copy(ones_hbm, ones_v)
    pltpu.sync_copy(zeros_hbm, acc.at[pl.ds(s * RPT, RPT)])
    plsc.subcore_barrier()

    def body(j, carry):
        pltpu.sync_copy(ones_v, acc.at[dst_v.at[j]], add=True)
        return carry

    lax.fori_loop(0, NCHD, body, 0)
    plsc.subcore_barrier()
    pltpu.sync_copy(acc.at[pl.ds(s * RPT, RPT)], out_hbm.at[wid])


@functools.partial(
    pl.kernel,
    out_type=jax.ShapeDtypeStruct((NC * NS, RPT, FH), jnp.float32),
    mesh=_MESH,
    scratch_types=[
        pltpu.VMEM((NCHK, K), jnp.int32),
        pltpu.VMEM((NCHK, K), jnp.int32),
        pltpu.VMEM((K, FH), jnp.float32),
        pltpu.VMEM((K, FH), jnp.float32),
        pltpu.VMEM_SHARED((N, FH), jnp.float32),
        pltpu.SemaphoreType.DMA,
        pltpu.SemaphoreType.DMA,
    ],
    compiler_params=pltpu.CompilerParams(use_tc_tiling_on_sc=False),
)
def _sc_scatter(y_hbm, src_hbm, dst_hbm, zeros_hbm, out_hbm,
                src_v, dst_v, rows0, rows1, acc, sem0, sem1):
    c = lax.axis_index("c")
    s = lax.axis_index("s")
    wid = c * NS + s
    pltpu.sync_copy(src_hbm.at[c, s], src_v)
    pltpu.sync_copy(dst_hbm.at[s], dst_v)
    pltpu.sync_copy(zeros_hbm, acc.at[pl.ds(s * RPT, RPT)])
    plsc.subcore_barrier()

    def gather(rows, sem, j):
        pltpu.async_copy(y_hbm.at[src_v.at[j]], rows, sem)

    def wait_scatter(rows, sem, j):
        pltpu.make_async_copy(y_hbm.at[src_v.at[j]], rows, sem).wait()
        pltpu.sync_copy(rows, acc.at[dst_v.at[j]], add=True)

    gather(rows0, sem0, 0)

    def body(t2, carry):
        t = 2 * t2
        gather(rows1, sem1, t + 1)
        wait_scatter(rows0, sem0, t)
        gather(rows0, sem0, t + 2)
        wait_scatter(rows1, sem1, t + 1)
        return carry

    lax.fori_loop(0, (NCHK - 1) // 2, body, 0)
    wait_scatter(rows0, sem0, NCHK - 1)
    plsc.subcore_barrier()
    pltpu.sync_copy(acc.at[pl.ds(s * RPT, RPT)], out_hbm.at[wid])


_BR = 1000


def _dinv(dp):
    return lax.rsqrt(dp[0, :, :1] + dp[1, :, :1] + 1.0)


def _tc_xw_body(x_ref, w_ref, dp_ref, y_ref):
    dinv = _dinv(dp_ref[...])
    y = jnp.dot(x_ref[...], w_ref[...],
                preferred_element_type=jnp.float32) * dinv
    y_ref[0] = y[:, :FH]
    y_ref[1] = y[:, FH:]


def _tc_layer2_body(s1_ref, y1_ref, dp_ref, b1_ref, w_ref, y2_ref):
    dinv = _dinv(dp_ref[...])
    s1 = jnp.concatenate([s1_ref[0], s1_ref[1]], axis=-1)
    y1 = jnp.concatenate([y1_ref[0], y1_ref[1]], axis=-1)
    h = jnp.maximum(dinv * (s1 + y1) + b1_ref[...], 0.0)
    y2 = jnp.dot(h, w_ref[...], preferred_element_type=jnp.float32) * dinv
    y2_ref[0] = y2[:, :FH]
    y2_ref[1] = y2[:, FH:]


def _tc_out_body(s2_ref, y2_ref, dp_ref, b_ref, o_ref):
    dinv = _dinv(dp_ref[...])
    s2 = jnp.concatenate([s2_ref[0], s2_ref[1]], axis=-1)
    y2 = jnp.concatenate([y2_ref[0], y2_ref[1]], axis=-1)
    o_ref[...] = dinv * (s2 + y2) + b_ref[...]


_BD_I = 2000
_BD_J = 2048


def _tc_dec_body(a_ref, b_ref, o_ref):
    logits = lax.dot_general(a_ref[...], b_ref[...],
                             (((1,), (1,)), ((), ())),
                             preferred_element_type=jnp.float32)
    o_ref[...] = jax.nn.sigmoid(logits)


def kernel(x, edge_index, W1, b1, Wmu, bmu, Wlv, blv):
    src = edge_index[0]
    dst = edge_index[1]

    dst_d = dst.reshape(NC * NS, NCHD, KD)
    src_s = jnp.stack([src.reshape(NS, NCHK, K),
                       (src + N).reshape(NS, NCHK, K)])
    dst_s = dst.reshape(NS, NCHK, K)
    ones16 = jnp.ones((KD, 16), jnp.float32)
    zeros16 = jnp.zeros((RPT, 16), jnp.float32)
    zerosF = jnp.zeros((RPT, FH), jnp.float32)
    Wcat = jnp.concatenate([Wmu, Wlv], axis=1)
    b1r = b1.reshape(1, F)
    bcat = jnp.concatenate([bmu, blv]).reshape(1, F)

    degp = _sc_degree(dst_d, ones16, zeros16).reshape(NC, N, 16)

    y1 = pl.pallas_call(
        _tc_xw_body,
        grid=(N // _BR,),
        in_specs=[
            pl.BlockSpec((_BR, F), lambda i: (i, 0)),
            pl.BlockSpec((F, F), lambda i: (0, 0)),
            pl.BlockSpec((2, _BR, 16), lambda i: (0, i, 0)),
        ],
        out_specs=pl.BlockSpec((2, _BR, FH), lambda i: (0, i, 0)),
        out_shape=jax.ShapeDtypeStruct((2, N, FH), jnp.float32),
    )(x, W1, degp)

    s1 = _sc_scatter(y1.reshape(2 * N, FH), src_s, dst_s, zerosF)
    s1 = s1.reshape(NC, N, FH)

    y2 = pl.pallas_call(
        _tc_layer2_body,
        grid=(N // _BR,),
        in_specs=[
            pl.BlockSpec((2, _BR, FH), lambda i: (0, i, 0)),
            pl.BlockSpec((2, _BR, FH), lambda i: (0, i, 0)),
            pl.BlockSpec((2, _BR, 16), lambda i: (0, i, 0)),
            pl.BlockSpec((1, F), lambda i: (0, 0)),
            pl.BlockSpec((F, F), lambda i: (0, 0)),
        ],
        out_specs=pl.BlockSpec((2, _BR, FH), lambda i: (0, i, 0)),
        out_shape=jax.ShapeDtypeStruct((2, N, FH), jnp.float32),
    )(s1, y1, degp, b1r, Wcat)

    s2 = _sc_scatter(y2.reshape(2 * N, FH), src_s, dst_s, zerosF)
    s2 = s2.reshape(NC, N, FH)

    mulv = pl.pallas_call(
        _tc_out_body,
        grid=(N // _BR,),
        in_specs=[
            pl.BlockSpec((2, _BR, FH), lambda i: (0, i, 0)),
            pl.BlockSpec((2, _BR, FH), lambda i: (0, i, 0)),
            pl.BlockSpec((2, _BR, 16), lambda i: (0, i, 0)),
            pl.BlockSpec((1, F), lambda i: (0, 0)),
        ],
        out_specs=pl.BlockSpec((_BR, F), lambda i: (i, 0)),
        out_shape=jax.ShapeDtypeStruct((N, F), jnp.float32),
    )(s2, y2, degp, bcat)

    mu = mulv[:, :H2]
    logvar = mulv[:, H2:]

    adj = pl.pallas_call(
        _tc_dec_body,
        grid=(N // _BD_I, pl.cdiv(N, _BD_J)),
        in_specs=[
            pl.BlockSpec((_BD_I, H2), lambda i, j: (i, 0)),
            pl.BlockSpec((_BD_J, H2), lambda i, j: (j, 0)),
        ],
        out_specs=pl.BlockSpec((_BD_I, _BD_J), lambda i, j: (i, j)),
        out_shape=jax.ShapeDtypeStruct((N, N), jnp.float32),
    )(mu, mu)

    return (adj, mu, logvar)

# --- scband reference (transcript-rebuilt; emitter-appended) ---
"""Pipeline reference for scband-vgae-30416958390813 (READ-ONLY COPY).

The authoritative reference and input builder live on the scoring server;
editing this copy changes nothing except your own understanding.
"""

import jax, jax.numpy as jnp
import numpy as np

N = 10000
E = 160000
F_IN = 256
H1 = 256
H2 = 128


def gcn_conv(x, W, b, src, dst, n):
    # torch_geometric-style GCNConv: add self-loops, symmetric normalization,
    # linear transform, scatter-add aggregation, bias.
    sl = jnp.arange(n, dtype=src.dtype)
    s = jnp.concatenate([src, sl])
    d = jnp.concatenate([dst, sl])
    deg = jnp.zeros((n,), dtype=x.dtype).at[d].add(1.0)
    dinv = jnp.where(deg > 0, deg ** -0.5, 0.0)
    norm = dinv[s] * dinv[d]
    xw = x @ W
    msg = jnp.take(xw, s, axis=0) * norm[:, None]
    out = jax.ops.segment_sum(msg, d, num_segments=n)
    return out + b


def setup_inputs(seed: int = 0) -> dict:
    key = jax.random.key(seed)
    ks = jax.random.split(key, 8)
    x = jax.random.normal(ks[0], (N, F_IN), dtype=jnp.float32)
    edge_index = jax.random.randint(ks[1], (2, E), 0, N, dtype=jnp.int32)
    W1 = jax.random.normal(ks[2], (F_IN, H1), dtype=jnp.float32) * (1.0 / np.sqrt(F_IN))
    b1 = jnp.zeros((H1,), dtype=jnp.float32)
    Wmu = jax.random.normal(ks[3], (H1, H2), dtype=jnp.float32) * (1.0 / np.sqrt(H1))
    bmu = jnp.zeros((H2,), dtype=jnp.float32)
    Wlv = jax.random.normal(ks[4], (H1, H2), dtype=jnp.float32) * (1.0 / np.sqrt(H1))
    blv = jnp.zeros((H2,), dtype=jnp.float32)
    return {"x": x, "edge_index": edge_index, "W1": W1, "b1": b1,
            "Wmu": Wmu, "bmu": bmu, "Wlv": Wlv, "blv": blv}


def reference(x, edge_index, W1, b1, Wmu, bmu, Wlv, blv):
    # Eval-mode VGAE forward: dropout = identity, reparametrize returns mu.
    src = edge_index[0]
    dst = edge_index[1]
    h = jax.nn.relu(gcn_conv(x, W1, b1, src, dst, N))
    mu = gcn_conv(h, Wmu, bmu, src, dst, N)
    logvar = gcn_conv(h, Wlv, blv, src, dst, N)
    z = mu  # eval-mode reparametarize
    adj = jax.nn.sigmoid(z @ z.T)
    return (adj, mu, logvar)

if __name__ == "__main__":
    import jax
    _d = setup_inputs()
    print(jax.jit(kernel)(*tuple(_d.values())))

</pallas_src>

<mosaic_0001>
#map = affine_map<(d0, d1) -> (0, 0, 0)>
#map1 = affine_map<(d0, d1) -> (0, 0)>
module attributes {stable_mosaic.version = 14 : i64} {
  func.func @_sc_degree(%arg0: i32, %arg1: i32, %arg2: memref<32x125x40xi32, #tpu.memory_space<hbm>>, %arg3: memref<40x16xf32, #tpu.memory_space<hbm>>, %arg4: memref<625x16xf32, #tpu.memory_space<hbm>>, %arg5: memref<32x625x16xf32, #tpu.memory_space<hbm>>, %arg6: memref<125x40xi32, #tpu.memory_space<vmem>>, %arg7: memref<40x16xf32, #tpu.memory_space<vmem>>, %arg8: memref<10000x16xf32, #tpu.memory_space<vmem_shared>>) attributes {dimension_semantics = [#tpu.dimension_semantics<core_parallel>, #tpu.dimension_semantics<subcore_parallel>], iteration_bounds = array<i64: 2, 16>, scalar_prefetch = 0 : i64, scratch_operands = 3 : i64, tpu.core_type = #tpu.core_type<sc_vector_subcore>, window_params = [{transform_indices = #map}, {transform_indices = #map1}, {transform_indices = #map1}, {transform_indices = #map}]} {
    %mul3A = arith.constant 16 : i32
    %mul3A_0 = arith.muli %arg0, %mul3A : i32
    %add3A = arith.addi %mul3A_0, %arg1 : i32
    "tpu.region"() ({
      %run_scoped3A = tpu.sem_alloc : memref<!tpu.dma_semaphore, #tpu.memory_space<semaphore_mem>>
      %dma_start3A = arith.constant 0 : i32
      %dma_start3A_11 = arith.constant 0 : i32
      %dma_start3A_12 = tpu.memref_slice %arg2[%add3A, %dma_start3A, %dma_start3A_11] : memref<32x125x40xi32, #tpu.memory_space<hbm>> -> memref<1x125x40xi32, #tpu.memory_space<hbm>>
      %dma_start3A_13 = tpu.memref_squeeze %dma_start3A_12 : memref<1x125x40xi32, #tpu.memory_space<hbm>> -> memref<125x40xi32, #tpu.memory_space<hbm>>
      %dma_start3A_14 = arith.constant 0 : i32
      %dma_start3A_15 = arith.constant 0 : i32
      %dma_start3A_16 = tpu.memref_slice %arg2[%add3A, %dma_start3A_14, %dma_start3A_15] : memref<32x125x40xi32, #tpu.memory_space<hbm>> -> memref<1x125x40xi32, #tpu.memory_space<hbm>>
      %dma_start3A_17 = tpu.memref_squeeze %dma_start3A_16 : memref<1x125x40xi32, #tpu.memory_space<hbm>> -> memref<125x40xi32, #tpu.memory_space<hbm>>
      tpu.enqueue_dma source(%dma_start3A_17 : memref<125x40xi32, #tpu.memory_space<hbm>>) target(%arg6 : memref<125x40xi32, #tpu.memory_space<vmem>>) target_semaphore(%run_scoped3A : memref<!tpu.dma_semaphore, #tpu.memory_space<semaphore_mem>>)
      %dma_wait3A = arith.constant 0 : i32
      %dma_wait3A_18 = arith.constant 0 : i32
      %dma_wait3A_19 = tpu.memref_slice %arg2[%add3A, %dma_wait3A, %dma_wait3A_18] : memref<32x125x40xi32, #tpu.memory_space<hbm>> -> memref<1x125x40xi32, #tpu.memory_space<hbm>>
      %dma_wait3A_20 = tpu.memref_squeeze %dma_wait3A_19 : memref<1x125x40xi32, #tpu.memory_space<hbm>> -> memref<125x40xi32, #tpu.memory_space<hbm>>
      %dma_wait3A_21 = arith.constant 0 : i32
      %dma_wait3A_22 = arith.constant 0 : i32
      %dma_wait3A_23 = tpu.memref_slice %arg2[%add3A, %dma_wait3A_21, %dma_wait3A_22] : memref<32x125x40xi32, #tpu.memory_space<hbm>> -> memref<1x125x40xi32, #tpu.memory_space<hbm>>
      %dma_wait3A_24 = tpu.memref_squeeze %dma_wait3A_23 : memref<1x125x40xi32, #tpu.memory_space<hbm>> -> memref<125x40xi32, #tpu.memory_space<hbm>>
      tpu.wait_dma2 semaphore(%run_scoped3A : memref<!tpu.dma_semaphore, #tpu.memory_space<semaphore_mem>>) src(%dma_wait3A_24 : memref<125x40xi32, #tpu.memory_space<hbm>>) dst(%arg6 : memref<125x40xi32, #tpu.memory_space<vmem>>)
      tpu.yield
    }) : () -> ()
    "tpu.region"() ({
      %run_scoped3A = tpu.sem_alloc : memref<!tpu.dma_semaphore, #tpu.memory_space<semaphore_mem>>
      tpu.enqueue_dma source(%arg3 : memref<40x16xf32, #tpu.memory_space<hbm>>) target(%arg7 : memref<40x16xf32, #tpu.memory_space<vmem>>) target_semaphore(%run_scoped3A : memref<!tpu.dma_semaphore, #tpu.memory_space<semaphore_mem>>)
      tpu.wait_dma2 semaphore(%run_scoped3A : memref<!tpu.dma_semaphore, #tpu.memory_space<semaphore_mem>>) src(%arg3 : memref<40x16xf32, #tpu.memory_space<hbm>>) dst(%arg7 : memref<40x16xf32, #tpu.memory_space<vmem>>)
      tpu.yield
    }) : () -> ()
    %mul3A_1 = arith.constant 625 : i32
    %mul3A_2 = arith.muli %arg1, %mul3A_1 : i32
    "tpu.region"() ({
      %run_scoped3A = tpu.sem_alloc : memref<!tpu.dma_semaphore, #tpu.memory_space<semaphore_mem>>
      %dma_start3A = arith.constant 0 : i32
      %dma_start3A_11 = tpu.memref_slice %arg8[%mul3A_2, %dma_start3A] : memref<10000x16xf32, #tpu.memory_space<vmem_shared>> -> memref<625x16xf32, #tpu.memory_space<vmem_shared>>
      tpu.enqueue_dma source(%arg4 : memref<625x16xf32, #tpu.memory_space<hbm>>) target(%dma_start3A_11 : memref<625x16xf32, #tpu.memory_space<vmem_shared>>) target_semaphore(%run_scoped3A : memref<!tpu.dma_semaphore, #tpu.memory_space<semaphore_mem>>)
      %dma_wait3A = arith.constant 0 : i32
      %dma_wait3A_12 = tpu.memref_slice %arg8[%mul3A_2, %dma_wait3A] : memref<10000x16xf32, #tpu.memory_space<vmem_shared>> -> memref<625x16xf32, #tpu.memory_space<vmem_shared>>
      tpu.wait_dma2 semaphore(%run_scoped3A : memref<!tpu.dma_semaphore, #tpu.memory_space<semaphore_mem>>) src(%arg4 : memref<625x16xf32, #tpu.memory_space<hbm>>) dst(%dma_wait3A_12 : memref<625x16xf32, #tpu.memory_space<vmem_shared>>)
      tpu.yield
    }) : () -> ()
    %barrier3A = arith.constant 0 : index
    tpu.barrier barrier_id(%barrier3A)
    %scan3A = arith.constant 0 : i32
    %scan3A_3 = arith.constant 0 : i32
    %scan3A_4 = arith.constant 125 : i32
    %scan3A_5 = arith.addi %scan3A_3, %scan3A_4 : i32
    %scan3A_6 = arith.constant 1 : i32
    scf.for %scan3A_11 = %scan3A_3 to %scan3A_5 step %scan3A_6  : i32 {
      "tpu.region"() ({
        %run_scoped3A = tpu.sem_alloc : memref<!tpu.dma_semaphore, #tpu.memory_space<semaphore_mem>>
        %dma_start3A = arith.constant 0 : i32
        %dma_start3A_12 = tpu.memref_slice %arg6[%scan3A_11, %dma_start3A] : memref<125x40xi32, #tpu.memory_space<vmem>> -> memref<1x40xi32, #tpu.memory_space<vmem>>
        %dma_start3A_13 = tpu.memref_squeeze %dma_start3A_12 : memref<1x40xi32, #tpu.memory_space<vmem>> -> memref<40xi32, #tpu.memory_space<vmem>>
        %dma_start3A_14 = arith.constant 0 : i32
        %dma_start3A_15 = arith.constant 0 : i32
        %dma_start3A_16 = tpu.memref_slice %arg8[%dma_start3A_14, %dma_start3A_15] : memref<10000x16xf32, #tpu.memory_space<vmem_shared>> -> memref<10000x16xf32, #tpu.memory_space<vmem_shared>>
        tpu.enqueue_indirect_dma source(%arg7 : memref<40x16xf32, #tpu.memory_space<vmem>>) target(%dma_start3A_16 : memref<10000x16xf32, #tpu.memory_space<vmem_shared>>) offsets(%dma_start3A_13 : memref<40xi32, #tpu.memory_space<vmem>>) semaphore(%run_scoped3A : memref<!tpu.dma_semaphore, #tpu.memory_space<semaphore_mem>>) {add = true}
        %dma_wait3A = arith.constant 0 : i32
        %dma_wait3A_17 = tpu.memref_slice %arg6[%scan3A_11, %dma_wait3A] : memref<125x40xi32, #tpu.memory_space<vmem>> -> memref<1x40xi32, #tpu.memory_space<vmem>>
        %dma_wait3A_18 = tpu.memref_squeeze %dma_wait3A_17 : memref<1x40xi32, #tpu.memory_space<vmem>> -> memref<40xi32, #tpu.memory_space<vmem>>
        %dma_wait3A_19 = arith.constant 0 : i32
        %dma_wait3A_20 = arith.constant 0 : i32
        %dma_wait3A_21 = tpu.memref_slice %arg8[%dma_wait3A_19, %dma_wait3A_20] : memref<10000x16xf32, #tpu.memory_space<vmem_shared>> -> memref<10000x16xf32, #tpu.memory_space<vmem_shared>>
        tpu.wait_indirect_dma semaphore(%run_scoped3A : memref<!tpu.dma_semaphore, #tpu.memory_space<semaphore_mem>>) src(%arg7 : memref<40x16xf32, #tpu.memory_space<vmem>>) dst(%dma_wait3A_21 : memref<10000x16xf32, #tpu.memory_space<vmem_shared>>)
        tpu.yield
      }) : () -> ()
    }
    %scan3A_7 = arith.constant 125 : i32
    %barrier3A_8 = arith.constant 0 : index
    tpu.barrier barrier_id(%barrier3A_8)
    %mul3A_9 = arith.constant 625 : i32
    %mul3A_10 = arith.muli %arg1, %mul3A_9 : i32
    "tpu.region"() ({
      %run_scoped3A = tpu.sem_alloc : memref<!tpu.dma_semaphore, #tpu.memory_space<semaphore_mem>>
      %dma_start3A = arith.constant 0 : i32
      %dma_start3A_11 = arith.constant 0 : i32
      %dma_start3A_12 = tpu.memref_slice %arg5[%add3A, %dma_start3A, %dma_start3A_11] : memref<32x625x16xf32, #tpu.memory_space<hbm>> -> memref<1x625x16xf32, #tpu.memory_space<hbm>>
      %dma_start3A_13 = tpu.memref_squeeze %dma_start3A_12 : memref<1x625x16xf32, #tpu.memory_space<hbm>> -> memref<625x16xf32, #tpu.memory_space<hbm>>
      %dma_start3A_14 = arith.constant 0 : i32
      %dma_start3A_15 = tpu.memref_slice %arg8[%mul3A_10, %dma_start3A_14] : memref<10000x16xf32, #tpu.memory_space<vmem_shared>> -> memref<625x16xf32, #tpu.memory_space<vmem_shared>>
      tpu.enqueue_dma source(%dma_start3A_15 : memref<625x16xf32, #tpu.memory_space<vmem_shared>>) target(%dma_start3A_13 : memref<625x16xf32, #tpu.memory_space<hbm>>) target_semaphore(%run_scoped3A : memref<!tpu.dma_semaphore, #tpu.memory_space<semaphore_mem>>)
      %dma_wait3A = arith.constant 0 : i32
      %dma_wait3A_16 = arith.constant 0 : i32
      %dma_wait3A_17 = tpu.memref_slice %arg5[%add3A, %dma_wait3A, %dma_wait3A_16] : memref<32x625x16xf32, #tpu.memory_space<hbm>> -> memref<1x625x16xf32, #tpu.memory_space<hbm>>
      %dma_wait3A_18 = tpu.memref_squeeze %dma_wait3A_17 : memref<1x625x16xf32, #tpu.memory_space<hbm>> -> memref<625x16xf32, #tpu.memory_space<hbm>>
      %dma_wait3A_19 = arith.constant 0 : i32
      %dma_wait3A_20 = tpu.memref_slice %arg8[%mul3A_10, %dma_wait3A_19] : memref<10000x16xf32, #tpu.memory_space<vmem_shared>> -> memref<625x16xf32, #tpu.memory_space<vmem_shared>>
      tpu.wait_dma2 semaphore(%run_scoped3A : memref<!tpu.dma_semaphore, #tpu.memory_space<semaphore_mem>>) src(%dma_wait3A_20 : memref<625x16xf32, #tpu.memory_space<vmem_shared>>) dst(%dma_wait3A_18 : memref<625x16xf32, #tpu.memory_space<hbm>>)
      tpu.yield
    }) : () -> ()
    return
  }
}

#map = affine_map<(d0, d1) -> (0, 0)>
#map1 = affine_map<(d0, d1) -> (0, 0, 0, 0)>
#map2 = affine_map<(d0, d1) -> (0, 0, 0)>
module attributes {stable_mosaic.version = 14 : i64} {
  func.func @_sc_scatter(%arg0: i32, %arg1: i32, %arg2: memref<20000x128xf32, #tpu.memory_space<hbm>>, %arg3: memref<2x16x125x80xi32, #tpu.memory_space<hbm>>, %arg4: memref<16x125x80xi32, #tpu.memory_space<hbm>>, %arg5: memref<625x128xf32, #tpu.memory_space<hbm>>, %arg6: memref<32x625x128xf32, #tpu.memory_space<hbm>>, %arg7: memref<125x80xi32, #tpu.memory_space<vmem>>, %arg8: memref<125x80xi32, #tpu.memory_space<vmem>>, %arg9: memref<80x128xf32, #tpu.memory_space<vmem>>, %arg10: memref<80x128xf32, #tpu.memory_space<vmem>>, %arg11: memref<10000x128xf32, #tpu.memory_space<vmem_shared>>, %arg12: memref<!tpu.dma_semaphore, #tpu.memory_space<semaphore_mem>>, %arg13: memref<!tpu.dma_semaphore, #tpu.memory_space<semaphore_mem>>) attributes {dimension_semantics = [#tpu.dimension_semantics<core_parallel>, #tpu.dimension_semantics<subcore_parallel>], iteration_bounds = array<i64: 2, 16>, scalar_prefetch = 0 : i64, scratch_operands = 7 : i64, tpu.core_type = #tpu.core_type<sc_vector_subcore>, window_params = [{transform_indices = #map}, {transform_indices = #map1}, {transform_indices = #map2}, {transform_indices = #map}, {transform_indices = #map2}]} {
    %mul3A = arith.constant 16 : i32
    %mul3A_0 = arith.muli %arg0, %mul3A : i32
    %add3A = arith.addi %mul3A_0, %arg1 : i32
    "tpu.region"() ({
      %run_scoped3A_23 = tpu.sem_alloc : memref<!tpu.dma_semaphore, #tpu.memory_space<semaphore_mem>>
      %dma_start3A_24 = arith.constant 0 : i32
      %dma_start3A_25 = arith.constant 0 : i32
      %dma_start3A_26 = tpu.memref_slice %arg3[%arg0, %arg1, %dma_start3A_24, %dma_start3A_25] : memref<2x16x125x80xi32, #tpu.memory_space<hbm>> -> memref<1x1x125x80xi32, #tpu.memory_space<hbm>>
      %dma_start3A_27 = tpu.memref_squeeze %dma_start3A_26 : memref<1x1x125x80xi32, #tpu.memory_space<hbm>> -> memref<125x80xi32, #tpu.memory_space<hbm>>
      %dma_start3A_28 = arith.constant 0 : i32
      %dma_start3A_29 = arith.constant 0 : i32
      %dma_start3A_30 = tpu.memref_slice %arg3[%arg0, %arg1, %dma_start3A_28, %dma_start3A_29] : memref<2x16x125x80xi32, #tpu.memory_space<hbm>> -> memref<1x1x125x80xi32, #tpu.memory_space<hbm>>
      %dma_start3A_31 = tpu.memref_squeeze %dma_start3A_30 : memref<1x1x125x80xi32, #tpu.memory_space<hbm>> -> memref<125x80xi32, #tpu.memory_space<hbm>>
      tpu.enqueue_dma source(%dma_start3A_31 : memref<125x80xi32, #tpu.memory_space<hbm>>) target(%arg7 : memref<125x80xi32, #tpu.memory_space<vmem>>) target_semaphore(%run_scoped3A_23 : memref<!tpu.dma_semaphore, #tpu.memory_space<semaphore_mem>>)
      %dma_wait3A_32 = arith.constant 0 : i32
      %dma_wait3A_33 = arith.constant 0 : i32
      %dma_wait3A_34 = tpu.memref_slice %arg3[%arg0, %arg1, %dma_wait3A_32, %dma_wait3A_33] : memref<2x16x125x80xi32, #tpu.memory_space<hbm>> -> memref<1x1x125x80xi32, #tpu.memory_space<hbm>>
      %dma_wait3A_35 = tpu.memref_squeeze %dma_wait3A_34 : memref<1x1x125x80xi32, #tpu.memory_space<hbm>> -> memref<125x80xi32, #tpu.memory_space<hbm>>
      %dma_wait3A_36 = arith.constant 0 : i32
      %dma_wait3A_37 = arith.constant 0 : i32
      %dma_wait3A_38 = tpu.memref_slice %arg3[%arg0, %arg1, %dma_wait3A_36, %dma_wait3A_37] : memref<2x16x125x80xi32, #tpu.memory_space<hbm>> -> memref<1x1x125x80xi32, #tpu.memory_space<hbm>>
      %dma_wait3A_39 = tpu.memref_squeeze %dma_wait3A_38 : memref<1x1x125x80xi32, #tpu.memory_space<hbm>> -> memref<125x80xi32, #tpu.memory_space<hbm>>
      tpu.wait_dma2 semaphore(%run_scoped3A_23 : memref<!tpu.dma_semaphore, #tpu.memory_space<semaphore_mem>>) src(%dma_wait3A_39 : memref<125x80xi32, #tpu.memory_space<hbm>>) dst(%arg7 : memref<125x80xi32, #tpu.memory_space<vmem>>)
      tpu.yield
    }) : () -> ()
    "tpu.region"() ({
      %run_scoped3A_23 = tpu.sem_alloc : memref<!tpu.dma_semaphore, #tpu.memory_space<semaphore_mem>>
      %dma_start3A_24 = arith.constant 0 : i32
      %dma_start3A_25 = arith.constant 0 : i32
      %dma_start3A_26 = tpu.memref_slice %arg4[%arg1, %dma_start3A_24, %dma_start3A_25] : memref<16x125x80xi32, #tpu.memory_space<hbm>> -> memref<1x125x80xi32, #tpu.memory_space<hbm>>
      %dma_start3A_27 = tpu.memref_squeeze %dma_start3A_26 : memref<1x125x80xi32, #tpu.memory_space<hbm>> -> memref<125x80xi32, #tpu.memory_space<hbm>>
      %dma_start3A_28 = arith.constant 0 : i32
      %dma_start3A_29 = arith.constant 0 : i32
      %dma_start3A_30 = tpu.memref_slice %arg4[%arg1, %dma_start3A_28, %dma_start3A_29] : memref<16x125x80xi32, #tpu.memory_space<hbm>> -> memref<1x125x80xi32, #tpu.memory_space<hbm>>
      %dma_start3A_31 = tpu.memref_squeeze %dma_start3A_30 : memref<1x125x80xi32, #tpu.memory_space<hbm>> -> memref<125x80xi32, #tpu.memory_space<hbm>>
      tpu.enqueue_dma source(%dma_start3A_31 : memref<125x80xi32, #tpu.memory_space<hbm>>) target(%arg8 : memref<125x80xi32, #tpu.memory_space<vmem>>) target_semaphore(%run_scoped3A_23 : memref<!tpu.dma_semaphore, #tpu.memory_space<semaphore_mem>>)
      %dma_wait3A_32 = arith.constant 0 : i32
      %dma_wait3A_33 = arith.constant 0 : i32
      %dma_wait3A_34 = tpu.memref_slice %arg4[%arg1, %dma_wait3A_32, %dma_wait3A_33] : memref<16x125x80xi32, #tpu.memory_space<hbm>> -> memref<1x125x80xi32, #tpu.memory_space<hbm>>
      %dma_wait3A_35 = tpu.memref_squeeze %dma_wait3A_34 : memref<1x125x80xi32, #tpu.memory_space<hbm>> -> memref<125x80xi32, #tpu.memory_space<hbm>>
      %dma_wait3A_36 = arith.constant 0 : i32
      %dma_wait3A_37 = arith.constant 0 : i32
      %dma_wait3A_38 = tpu.memref_slice %arg4[%arg1, %dma_wait3A_36, %dma_wait3A_37] : memref<16x125x80xi32, #tpu.memory_space<hbm>> -> memref<1x125x80xi32, #tpu.memory_space<hbm>>
      %dma_wait3A_39 = tpu.memref_squeeze %dma_wait3A_38 : memref<1x125x80xi32, #tpu.memory_space<hbm>> -> memref<125x80xi32, #tpu.memory_space<hbm>>
      tpu.wait_dma2 semaphore(%run_scoped3A_23 : memref<!tpu.dma_semaphore, #tpu.memory_space<semaphore_mem>>) src(%dma_wait3A_39 : memref<125x80xi32, #tpu.memory_space<hbm>>) dst(%arg8 : memref<125x80xi32, #tpu.memory_space<vmem>>)
      tpu.yield
    }) : () -> ()
    %mul3A_1 = arith.constant 625 : i32
    %mul3A_2 = arith.muli %arg1, %mul3A_1 : i32
    "tpu.region"() ({
      %run_scoped3A_23 = tpu.sem_alloc : memref<!tpu.dma_semaphore, #tpu.memory_space<semaphore_mem>>
      %dma_start3A_24 = arith.constant 0 : i32
      %dma_start3A_25 = tpu.memref_slice %arg11[%mul3A_2, %dma_start3A_24] : memref<10000x128xf32, #tpu.memory_space<vmem_shared>> -> memref<625x128xf32, #tpu.memory_space<vmem_shared>>
      tpu.enqueue_dma source(%arg5 : memref<625x128xf32, #tpu.memory_space<hbm>>) target(%dma_start3A_25 : memref<625x128xf32, #tpu.memory_space<vmem_shared>>) target_semaphore(%run_scoped3A_23 : memref<!tpu.dma_semaphore, #tpu.memory_space<semaphore_mem>>)
      %dma_wait3A_26 = arith.constant 0 : i32
      %dma_wait3A_27 = tpu.memref_slice %arg11[%mul3A_2, %dma_wait3A_26] : memref<10000x128xf32, #tpu.memory_space<vmem_shared>> -> memref<625x128xf32, #tpu.memory_space<vmem_shared>>
      tpu.wait_dma2 semaphore(%run_scoped3A_23 : memref<!tpu.dma_semaphore, #tpu.memory_space<semaphore_mem>>) src(%arg5 : memref<625x128xf32, #tpu.memory_space<hbm>>) dst(%dma_wait3A_27 : memref<625x128xf32, #tpu.memory_space<vmem_shared>>)
      tpu.yield
    }) : () -> ()
    %barrier3A = arith.constant 0 : index
    tpu.barrier barrier_id(%barrier3A)
    %dma_start3A = arith.constant 0 : i32
    %dma_start3A_3 = arith.constant 0 : i32
    %dma_start3A_4 = tpu.memref_slice %arg7[%dma_start3A, %dma_start3A_3] : memref<125x80xi32, #tpu.memory_space<vmem>> -> memref<1x80xi32, #tpu.memory_space<vmem>>
    %dma_start3A_5 = tpu.memref_squeeze %dma_start3A_4 : memref<1x80xi32, #tpu.memory_space<vmem>> -> memref<80xi32, #tpu.memory_space<vmem>>
    %dma_start3A_6 = arith.constant 0 : i32
    %dma_start3A_7 = arith.constant 0 : i32
    %dma_start3A_8 = tpu.memref_slice %arg2[%dma_start3A_6, %dma_start3A_7] : memref<20000x128xf32, #tpu.memory_space<hbm>> -> memref<20000x128xf32, #tpu.memory_space<hbm>>
    tpu.enqueue_indirect_dma source(%dma_start3A_8 : memref<20000x128xf32, #tpu.memory_space<hbm>>) target(%arg9 : memref<80x128xf32, #tpu.memory_space<vmem>>) offsets(%dma_start3A_5 : memref<80xi32, #tpu.memory_space<vmem>>) semaphore(%arg12 : memref<!tpu.dma_semaphore, #tpu.memory_space<semaphore_mem>>)
    %scan3A = arith.constant 0 : i32
    %scan3A_9 = arith.constant 0 : i32
    %scan3A_10 = arith.constant 62 : i32
    %scan3A_11 = arith.addi %scan3A_9, %scan3A_10 : i32
    %scan3A_12 = arith.constant 1 : i32
    scf.for %scan3A_23 = %scan3A_9 to %scan3A_11 step %scan3A_12  : i32 {
      %mul3A_24 = arith.constant 2 : i32
      %mul3A_25 = arith.muli %mul3A_24, %scan3A_23 : i32
      %add3A_26 = arith.constant 1 : i32
      %add3A_27 = arith.addi %mul3A_25, %add3A_26 : i32
      %dma_start3A_28 = arith.constant 0 : i32
      %dma_start3A_29 = tpu.memref_slice %arg7[%add3A_27, %dma_start3A_28] : memref<125x80xi32, #tpu.memory_space<vmem>> -> memref<1x80xi32, #tpu.memory_space<vmem>>
      %dma_start3A_30 = tpu.memref_squeeze %dma_start3A_29 : memref<1x80xi32, #tpu.memory_space<vmem>> -> memref<80xi32, #tpu.memory_space<vmem>>
      %dma_start3A_31 = arith.constant 0 : i32
      %dma_start3A_32 = arith.constant 0 : i32
      %dma_start3A_33 = tpu.memref_slice %arg2[%dma_start3A_31, %dma_start3A_32] : memref<20000x128xf32, #tpu.memory_space<hbm>> -> memref<20000x128xf32, #tpu.memory_space<hbm>>
      tpu.enqueue_indirect_dma source(%dma_start3A_33 : memref<20000x128xf32, #tpu.memory_space<hbm>>) target(%arg10 : memref<80x128xf32, #tpu.memory_space<vmem>>) offsets(%dma_start3A_30 : memref<80xi32, #tpu.memory_space<vmem>>) semaphore(%arg13 : memref<!tpu.dma_semaphore, #tpu.memory_space<semaphore_mem>>)
      %dma_wait3A_34 = arith.constant 0 : i32
      %dma_wait3A_35 = tpu.memref_slice %arg7[%mul3A_25, %dma_wait3A_34] : memref<125x80xi32, #tpu.memory_space<vmem>> -> memref<1x80xi32, #tpu.memory_space<vmem>>
      %dma_wait3A_36 = tpu.memref_squeeze %dma_wait3A_35 : memref<1x80xi32, #tpu.memory_space<vmem>> -> memref<80xi32, #tpu.memory_space<vmem>>
      %dma_wait3A_37 = arith.constant 0 : i32
      %dma_wait3A_38 = arith.constant 0 : i32
      %dma_wait3A_39 = tpu.memref_slice %arg2[%dma_wait3A_37, %dma_wait3A_38] : memref<20000x128xf32, #tpu.memory_space<hbm>> -> memref<20000x128xf32, #tpu.memory_space<hbm>>
      tpu.wait_indirect_dma semaphore(%arg12 : memref<!tpu.dma_semaphore, #tpu.memory_space<semaphore_mem>>) src(%dma_wait3A_39 : memref<20000x128xf32, #tpu.memory_space<hbm>>) dst(%arg9 : memref<80x128xf32, #tpu.memory_space<vmem>>)
      "tpu.region"() ({
        %run_scoped3A_56 = tpu.sem_alloc : memref<!tpu.dma_semaphore, #tpu.memory_space<semaphore_mem>>
        %dma_start3A_57 = arith.constant 0 : i32
        %dma_start3A_58 = tpu.memref_slice %arg8[%mul3A_25, %dma_start3A_57] : memref<125x80xi32, #tpu.memory_space<vmem>> -> memref<1x80xi32, #tpu.memory_space<vmem>>
        %dma_start3A_59 = tpu.memref_squeeze %dma_start3A_58 : memref<1x80xi32, #tpu.memory_space<vmem>> -> memref<80xi32, #tpu.memory_space<vmem>>
        %dma_start3A_60 = arith.constant 0 : i32
        %dma_start3A_61 = arith.constant 0 : i32
        %dma_start3A_62 = tpu.memref_slice %arg11[%dma_start3A_60, %dma_start3A_61] : memref<10000x128xf32, #tpu.memory_space<vmem_shared>> -> memref<10000x128xf32, #tpu.memory_space<vmem_shared>>
        tpu.enqueue_indirect_dma source(%arg9 : memref<80x128xf32, #tpu.memory_space<vmem>>) target(%dma_start3A_62 : memref<10000x128xf32, #tpu.memory_space<vmem_shared>>) offsets(%dma_start3A_59 : memref<80xi32, #tpu.memory_space<vmem>>) semaphore(%run_scoped3A_56 : memref<!tpu.dma_semaphore, #tpu.memory_space<semaphore_mem>>) {add = true}
        %dma_wait3A_63 = arith.constant 0 : i32
        %dma_wait3A_64 = tpu.memref_slice %arg8[%mul3A_25, %dma_wait3A_63] : memref<125x80xi32, #tpu.memory_space<vmem>> -> memref<1x80xi32, #tpu.memory_space<vmem>>
        %dma_wait3A_65 = tpu.memref_squeeze %dma_wait3A_64 : memref<1x80xi32, #tpu.memory_space<vmem>> -> memref<80xi32, #tpu.memory_space<vmem>>
        %dma_wait3A_66 = arith.constant 0 : i32
        %dma_wait3A_67 = arith.constant 0 : i32
        %dma_wait3A_68 = tpu.memref_slice %arg11[%dma_wait3A_66, %dma_wait3A_67] : memref<10000x128xf32, #tpu.memory_space<vmem_shared>> -> memref<10000x128xf32, #tpu.memory_space<vmem_shared>>
        tpu.wait_indirect_dma semaphore(%run_scoped3A_56 : memref<!tpu.dma_semaphore, #tpu.memory_space<semaphore_mem>>) src(%arg9 : memref<80x128xf32, #tpu.memory_space<vmem>>) dst(%dma_wait3A_68 : memref<10000x128xf32, #tpu.memory_space<vmem_shared>>)
        tpu.yield
      }) : () -> ()
      %add3A_40 = arith.constant 2 : i32
      %add3A_41 = arith.addi %mul3A_25, %add3A_40 : i32
      %dma_start3A_42 = arith.constant 0 : i32
      %dma_start3A_43 = tpu.memref_slice %arg7[%add3A_41, %dma_start3A_42] : memref<125x80xi32, #tpu.memory_space<vmem>> -> memref<1x80xi32, #tpu.memory_space<vmem>>
      %dma_start3A_44 = tpu.memref_squeeze %dma_start3A_43 : memref<1x80xi32, #tpu.memory_space<vmem>> -> memref<80xi32, #tpu.memory_space<vmem>>
      %dma_start3A_45 = arith.constant 0 : i32
      %dma_start3A_46 = arith.constant 0 : i32
      %dma_start3A_47 = tpu.memref_slice %arg2[%dma_start3A_45, %dma_start3A_46] : memref<20000x128xf32, #tpu.memory_space<hbm>> -> memref<20000x128xf32, #tpu.memory_space<hbm>>
      tpu.enqueue_indirect_dma source(%dma_start3A_47 : memref<20000x128xf32, #tpu.memory_space<hbm>>) target(%arg9 : memref<80x128xf32, #tpu.memory_space<vmem>>) offsets(%dma_start3A_44 : memref<80xi32, #tpu.memory_space<vmem>>) semaphore(%arg12 : memref<!tpu.dma_semaphore, #tpu.memory_space<semaphore_mem>>)
      %add3A_48 = arith.constant 1 : i32
      %add3A_49 = arith.addi %mul3A_25, %add3A_48 : i32
      %dma_wait3A_50 = arith.constant 0 : i32
      %dma_wait3A_51 = tpu.memref_slice %arg7[%add3A_49, %dma_wait3A_50] : memref<125x80xi32, #tpu.memory_space<vmem>> -> memref<1x80xi32, #tpu.memory_space<vmem>>
      %dma_wait3A_52 = tpu.memref_squeeze %dma_wait3A_51 : memref<1x80xi32, #tpu.memory_space<vmem>> -> memref<80xi32, #tpu.memory_space<vmem>>
      %dma_wait3A_53 = arith.constant 0 : i32
      %dma_wait3A_54 = arith.constant 0 : i32
      %dma_wait3A_55 = tpu.memref_slice %arg2[%dma_wait3A_53, %dma_wait3A_54] : memref<20000x128xf32, #tpu.memory_space<hbm>> -> memref<20000x128xf32, #tpu.memory_space<hbm>>
      tpu.wait_indirect_dma semaphore(%arg13 : memref<!tpu.dma_semaphore, #tpu.memory_space<semaphore_mem>>) src(%dma_wait3A_55 : memref<20000x128xf32, #tpu.memory_space<hbm>>) dst(%arg10 : memref<80x128xf32, #tpu.memory_space<vmem>>)
      "tpu.region"() ({
        %run_scoped3A_56 = tpu.sem_alloc : memref<!tpu.dma_semaphore, #tpu.memory_space<semaphore_mem>>
        %dma_start3A_57 = arith.constant 0 : i32
        %dma_start3A_58 = tpu.memref_slice %arg8[%add3A_49, %dma_start3A_57] : memref<125x80xi32, #tpu.memory_space<vmem>> -> memref<1x80xi32, #tpu.memory_space<vmem>>
        %dma_start3A_59 = tpu.memref_squeeze %dma_start3A_58 : memref<1x80xi32, #tpu.memory_space<vmem>> -> memref<80xi32, #tpu.memory_space<vmem>>
        %dma_start3A_60 = arith.constant 0 : i32
        %dma_start3A_61 = arith.constant 0 : i32
        %dma_start3A_62 = tpu.memref_slice %arg11[%dma_start3A_60, %dma_start3A_61] : memref<10000x128xf32, #tpu.memory_space<vmem_shared>> -> memref<10000x128xf32, #tpu.memory_space<vmem_shared>>
        tpu.enqueue_indirect_dma source(%arg10 : memref<80x128xf32, #tpu.memory_space<vmem>>) target(%dma_start3A_62 : memref<10000x128xf32, #tpu.memory_space<vmem_shared>>) offsets(%dma_start3A_59 : memref<80xi32, #tpu.memory_space<vmem>>) semaphore(%run_scoped3A_56 : memref<!tpu.dma_semaphore, #tpu.memory_space<semaphore_mem>>) {add = true}
        %dma_wait3A_63 = arith.constant 0 : i32
        %dma_wait3A_64 = tpu.memref_slice %arg8[%add3A_49, %dma_wait3A_63] : memref<125x80xi32, #tpu.memory_space<vmem>> -> memref<1x80xi32, #tpu.memory_space<vmem>>
        %dma_wait3A_65 = tpu.memref_squeeze %dma_wait3A_64 : memref<1x80xi32, #tpu.memory_space<vmem>> -> memref<80xi32, #tpu.memory_space<vmem>>
        %dma_wait3A_66 = arith.constant 0 : i32
        %dma_wait3A_67 = arith.constant 0 : i32
        %dma_wait3A_68 = tpu.memref_slice %arg11[%dma_wait3A_66, %dma_wait3A_67] : memref<10000x128xf32, #tpu.memory_space<vmem_shared>> -> memref<10000x128xf32, #tpu.memory_space<vmem_shared>>
        tpu.wait_indirect_dma semaphore(%run_scoped3A_56 : memref<!tpu.dma_semaphore, #tpu.memory_space<semaphore_mem>>) src(%arg10 : memref<80x128xf32, #tpu.memory_space<vmem>>) dst(%dma_wait3A_68 : memref<10000x128xf32, #tpu.memory_space<vmem_shared>>)
        tpu.yield
      }) : () -> ()
    }
    %scan3A_13 = arith.constant 62 : i32
    %dma_wait3A = arith.constant 124 : i32
    %dma_wait3A_14 = arith.constant 0 : i32
    %dma_wait3A_15 = tpu.memref_slice %arg7[%dma_wait3A, %dma_wait3A_14] : memref<125x80xi32, #tpu.memory_space<vmem>> -> memref<1x80xi32, #tpu.memory_space<vmem>>
    %dma_wait3A_16 = tpu.memref_squeeze %dma_wait3A_15 : memref<1x80xi32, #tpu.memory_space<vmem>> -> memref<80xi32, #tpu.memory_space<vmem>>
    %dma_wait3A_17 = arith.constant 0 : i32
    %dma_wait3A_18 = arith.constant 0 : i32
    %dma_wait3A_19 = tpu.memref_slice %arg2[%dma_wait3A_17, %dma_wait3A_18] : memref<20000x128xf32, #tpu.memory_space<hbm>> -> memref<20000x128xf32, #tpu.memory_space<hbm>>
    tpu.wait_indirect_dma semaphore(%arg12 : memref<!tpu.dma_semaphore, #tpu.memory_space<semaphore_mem>>) src(%dma_wait3A_19 : memref<20000x128xf32, #tpu.memory_space<hbm>>) dst(%arg9 : memref<80x128xf32, #tpu.memory_space<vmem>>)
    %run_scoped3A = arith.constant 124 : i32
    "tpu.region"() ({
      %run_scoped3A_23 = tpu.sem_alloc : memref<!tpu.dma_semaphore, #tpu.memory_space<semaphore_mem>>
      %dma_start3A_24 = arith.constant 0 : i32
      %dma_start3A_25 = tpu.memref_slice %arg8[%run_scoped3A, %dma_start3A_24] : memref<125x80xi32, #tpu.memory_space<vmem>> -> memref<1x80xi32, #tpu.memory_space<vmem>>
      %dma_start3A_26 = tpu.memref_squeeze %dma_start3A_25 : memref<1x80xi32, #tpu.memory_space<vmem>> -> memref<80xi32, #tpu.memory_space<vmem>>
      %dma_start3A_27 = arith.constant 0 : i32
      %dma_start3A_28 = arith.constant 0 : i32
      %dma_start3A_29 = tpu.memref_slice %arg11[%dma_start3A_27, %dma_start3A_28] : memref<10000x128xf32, #tpu.memory_space<vmem_shared>> -> memref<10000x128xf32, #tpu.memory_space<vmem_shared>>
      tpu.enqueue_indirect_dma source(%arg9 : memref<80x128xf32, #tpu.memory_space<vmem>>) target(%dma_start3A_29 : memref<10000x128xf32, #tpu.memory_space<vmem_shared>>) offsets(%dma_start3A_26 : memref<80xi32, #tpu.memory_space<vmem>>) semaphore(%run_scoped3A_23 : memref<!tpu.dma_semaphore, #tpu.memory_space<semaphore_mem>>) {add = true}
      %dma_wait3A_30 = arith.constant 0 : i32
      %dma_wait3A_31 = tpu.memref_slice %arg8[%run_scoped3A, %dma_wait3A_30] : memref<125x80xi32, #tpu.memory_space<vmem>> -> memref<1x80xi32, #tpu.memory_space<vmem>>
      %dma_wait3A_32 = tpu.memref_squeeze %dma_wait3A_31 : memref<1x80xi32, #tpu.memory_space<vmem>> -> memref<80xi32, #tpu.memory_space<vmem>>
      %dma_wait3A_33 = arith.constant 0 : i32
      %dma_wait3A_34 = arith.constant 0 : i32
      %dma_wait3A_35 = tpu.memref_slice %arg11[%dma_wait3A_33, %dma_wait3A_34] : memref<10000x128xf32, #tpu.memory_space<vmem_shared>> -> memref<10000x128xf32, #tpu.memory_space<vmem_shared>>
      tpu.wait_indirect_dma semaphore(%run_scoped3A_23 : memref<!tpu.dma_semaphore, #tpu.memory_space<semaphore_mem>>) src(%arg9 : memref<80x128xf32, #tpu.memory_space<vmem>>) dst(%dma_wait3A_35 : memref<10000x128xf32, #tpu.memory_space<vmem_shared>>)
      tpu.yield
    }) : () -> ()
    %barrier3A_20 = arith.constant 0 : index
    tpu.barrier barrier_id(%barrier3A_20)
    %mul3A_21 = arith.constant 625 : i32
    %mul3A_22 = arith.muli %arg1, %mul3A_21 : i32
    "tpu.region"() ({
      %run_scoped3A_23 = tpu.sem_alloc : memref<!tpu.dma_semaphore, #tpu.memory_space<semaphore_mem>>
      %dma_start3A_24 = arith.constant 0 : i32
      %dma_start3A_25 = arith.constant 0 : i32
      %dma_start3A_26 = tpu.memref_slice %arg6[%add3A, %dma_start3A_24, %dma_start3A_25] : memref<32x625x128xf32, #tpu.memory_space<hbm>> -> memref<1x625x128xf32, #tpu.memory_space<hbm>>
      %dma_start3A_27 = tpu.memref_squeeze %dma_start3A_26 : memref<1x625x128xf32, #tpu.memory_space<hbm>> -> memref<625x128xf32, #tpu.memory_space<hbm>>
      %dma_start3A_28 = arith.constant 0 : i32
      %dma_start3A_29 = tpu.memref_slice %arg11[%mul3A_22, %dma_start3A_28] : memref<10000x128xf32, #tpu.memory_space<vmem_shared>> -> memref<625x128xf32, #tpu.memory_space<vmem_shared>>
      tpu.enqueue_dma source(%dma_start3A_29 : memref<625x128xf32, #tpu.memory_space<vmem_shared>>) target(%dma_start3A_27 : memref<625x128xf32, #tpu.memory_space<hbm>>) target_semaphore(%run_scoped3A_23 : memref<!tpu.dma_semaphore, #tpu.memory_space<semaphore_mem>>)
      %dma_wait3A_30 = arith.constant 0 : i32
      %dma_wait3A_31 = arith.constant 0 : i32
      %dma_wait3A_32 = tpu.memref_slice %arg6[%add3A, %dma_wait3A_30, %dma_wait3A_31] : memref<32x625x128xf32, #tpu.memory_space<hbm>> -> memref<1x625x128xf32, #tpu.memory_space<hbm>>
      %dma_wait3A_33 = tpu.memref_squeeze %dma_wait3A_32 : memref<1x625x128xf32, #tpu.memory_space<hbm>> -> memref<625x128xf32, #tpu.memory_space<hbm>>
      %dma_wait3A_34 = arith.constant 0 : i32
      %dma_wait3A_35 = tpu.memref_slice %arg11[%mul3A_22, %dma_wait3A_34] : memref<10000x128xf32, #tpu.memory_space<vmem_shared>> -> memref<625x128xf32, #tpu.memory_space<vmem_shared>>
      tpu.wait_dma2 semaphore(%run_scoped3A_23 : memref<!tpu.dma_semaphore, #tpu.memory_space<semaphore_mem>>) src(%dma_wait3A_35 : memref<625x128xf32, #tpu.memory_space<vmem_shared>>) dst(%dma_wait3A_33 : memref<625x128xf32, #tpu.memory_space<hbm>>)
      tpu.yield
    }) : () -> ()
    return
  }
}

#map = affine_map<(d0, d1) -> (0, 0)>
#map1 = affine_map<(d0, d1) -> (0, 0, 0, 0)>
#map2 = affine_map<(d0, d1) -> (0, 0, 0)>
module attributes {stable_mosaic.version = 14 : i64} {
  func.func @_sc_scatter(%arg0: i32, %arg1: i32, %arg2: memref<20000x128xf32, #tpu.memory_space<hbm>>, %arg3: memref<2x16x125x80xi32, #tpu.memory_space<hbm>>, %arg4: memref<16x125x80xi32, #tpu.memory_space<hbm>>, %arg5: memref<625x128xf32, #tpu.memory_space<hbm>>, %arg6: memref<32x625x128xf32, #tpu.memory_space<hbm>>, %arg7: memref<125x80xi32, #tpu.memory_space<vmem>>, %arg8: memref<125x80xi32, #tpu.memory_space<vmem>>, %arg9: memref<80x128xf32, #tpu.memory_space<vmem>>, %arg10: memref<80x128xf32, #tpu.memory_space<vmem>>, %arg11: memref<10000x128xf32, #tpu.memory_space<vmem_shared>>, %arg12: memref<!tpu.dma_semaphore, #tpu.memory_space<semaphore_mem>>, %arg13: memref<!tpu.dma_semaphore, #tpu.memory_space<semaphore_mem>>) attributes {dimension_semantics = [#tpu.dimension_semantics<core_parallel>, #tpu.dimension_semantics<subcore_parallel>], iteration_bounds = array<i64: 2, 16>, scalar_prefetch = 0 : i64, scratch_operands = 7 : i64, tpu.core_type = #tpu.core_type<sc_vector_subcore>, window_params = [{transform_indices = #map}, {transform_indices = #map1}, {transform_indices = #map2}, {transform_indices = #map}, {transform_indices = #map2}]} {
    %mul3A = arith.constant 16 : i32
    %mul3A_0 = arith.muli %arg0, %mul3A : i32
    %add3A = arith.addi %mul3A_0, %arg1 : i32
    "tpu.region"() ({
      %run_scoped3A_23 = tpu.sem_alloc : memref<!tpu.dma_semaphore, #tpu.memory_space<semaphore_mem>>
      %dma_start3A_24 = arith.constant 0 : i32
      %dma_start3A_25 = arith.constant 0 : i32
      %dma_start3A_26 = tpu.memref_slice %arg3[%arg0, %arg1, %dma_start3A_24, %dma_start3A_25] : memref<2x16x125x80xi32, #tpu.memory_space<hbm>> -> memref<1x1x125x80xi32, #tpu.memory_space<hbm>>
      %dma_start3A_27 = tpu.memref_squeeze %dma_start3A_26 : memref<1x1x125x80xi32, #tpu.memory_space<hbm>> -> memref<125x80xi32, #tpu.memory_space<hbm>>
      %dma_start3A_28 = arith.constant 0 : i32
      %dma_start3A_29 = arith.constant 0 : i32
      %dma_start3A_30 = tpu.memref_slice %arg3[%arg0, %arg1, %dma_start3A_28, %dma_start3A_29] : memref<2x16x125x80xi32, #tpu.memory_space<hbm>> -> memref<1x1x125x80xi32, #tpu.memory_space<hbm>>
      %dma_start3A_31 = tpu.memref_squeeze %dma_start3A_30 : memref<1x1x125x80xi32, #tpu.memory_space<hbm>> -> memref<125x80xi32, #tpu.memory_space<hbm>>
      tpu.enqueue_dma source(%dma_start3A_31 : memref<125x80xi32, #tpu.memory_space<hbm>>) target(%arg7 : memref<125x80xi32, #tpu.memory_space<vmem>>) target_semaphore(%run_scoped3A_23 : memref<!tpu.dma_semaphore, #tpu.memory_space<semaphore_mem>>)
      %dma_wait3A_32 = arith.constant 0 : i32
      %dma_wait3A_33 = arith.constant 0 : i32
      %dma_wait3A_34 = tpu.memref_slice %arg3[%arg0, %arg1, %dma_wait3A_32, %dma_wait3A_33] : memref<2x16x125x80xi32, #tpu.memory_space<hbm>> -> memref<1x1x125x80xi32, #tpu.memory_space<hbm>>
      %dma_wait3A_35 = tpu.memref_squeeze %dma_wait3A_34 : memref<1x1x125x80xi32, #tpu.memory_space<hbm>> -> memref<125x80xi32, #tpu.memory_space<hbm>>
      %dma_wait3A_36 = arith.constant 0 : i32
      %dma_wait3A_37 = arith.constant 0 : i32
      %dma_wait3A_38 = tpu.memref_slice %arg3[%arg0, %arg1, %dma_wait3A_36, %dma_wait3A_37] : memref<2x16x125x80xi32, #tpu.memory_space<hbm>> -> memref<1x1x125x80xi32, #tpu.memory_space<hbm>>
      %dma_wait3A_39 = tpu.memref_squeeze %dma_wait3A_38 : memref<1x1x125x80xi32, #tpu.memory_space<hbm>> -> memref<125x80xi32, #tpu.memory_space<hbm>>
      tpu.wait_dma2 semaphore(%run_scoped3A_23 : memref<!tpu.dma_semaphore, #tpu.memory_space<semaphore_mem>>) src(%dma_wait3A_39 : memref<125x80xi32, #tpu.memory_space<hbm>>) dst(%arg7 : memref<125x80xi32, #tpu.memory_space<vmem>>)
      tpu.yield
    }) : () -> ()
    "tpu.region"() ({
      %run_scoped3A_23 = tpu.sem_alloc : memref<!tpu.dma_semaphore, #tpu.memory_space<semaphore_mem>>
      %dma_start3A_24 = arith.constant 0 : i32
      %dma_start3A_25 = arith.constant 0 : i32
      %dma_start3A_26 = tpu.memref_slice %arg4[%arg1, %dma_start3A_24, %dma_start3A_25] : memref<16x125x80xi32, #tpu.memory_space<hbm>> -> memref<1x125x80xi32, #tpu.memory_space<hbm>>
      %dma_start3A_27 = tpu.memref_squeeze %dma_start3A_26 : memref<1x125x80xi32, #tpu.memory_space<hbm>> -> memref<125x80xi32, #tpu.memory_space<hbm>>
      %dma_start3A_28 = arith.constant 0 : i32
      %dma_start3A_29 = arith.constant 0 : i32
      %dma_start3A_30 = tpu.memref_slice %arg4[%arg1, %dma_start3A_28, %dma_start3A_29] : memref<16x125x80xi32, #tpu.memory_space<hbm>> -> memref<1x125x80xi32, #tpu.memory_space<hbm>>
      %dma_start3A_31 = tpu.memref_squeeze %dma_start3A_30 : memref<1x125x80xi32, #tpu.memory_space<hbm>> -> memref<125x80xi32, #tpu.memory_space<hbm>>
      tpu.enqueue_dma source(%dma_start3A_31 : memref<125x80xi32, #tpu.memory_space<hbm>>) target(%arg8 : memref<125x80xi32, #tpu.memory_space<vmem>>) target_semaphore(%run_scoped3A_23 : memref<!tpu.dma_semaphore, #tpu.memory_space<semaphore_mem>>)
      %dma_wait3A_32 = arith.constant 0 : i32
      %dma_wait3A_33 = arith.constant 0 : i32
      %dma_wait3A_34 = tpu.memref_slice %arg4[%arg1, %dma_wait3A_32, %dma_wait3A_33] : memref<16x125x80xi32, #tpu.memory_space<hbm>> -> memref<1x125x80xi32, #tpu.memory_space<hbm>>
      %dma_wait3A_35 = tpu.memref_squeeze %dma_wait3A_34 : memref<1x125x80xi32, #tpu.memory_space<hbm>> -> memref<125x80xi32, #tpu.memory_space<hbm>>
      %dma_wait3A_36 = arith.constant 0 : i32
      %dma_wait3A_37 = arith.constant 0 : i32
      %dma_wait3A_38 = tpu.memref_slice %arg4[%arg1, %dma_wait3A_36, %dma_wait3A_37] : memref<16x125x80xi32, #tpu.memory_space<hbm>> -> memref<1x125x80xi32, #tpu.memory_space<hbm>>
      %dma_wait3A_39 = tpu.memref_squeeze %dma_wait3A_38 : memref<1x125x80xi32, #tpu.memory_space<hbm>> -> memref<125x80xi32, #tpu.memory_space<hbm>>
      tpu.wait_dma2 semaphore(%run_scoped3A_23 : memref<!tpu.dma_semaphore, #tpu.memory_space<semaphore_mem>>) src(%dma_wait3A_39 : memref<125x80xi32, #tpu.memory_space<hbm>>) dst(%arg8 : memref<125x80xi32, #tpu.memory_space<vmem>>)
      tpu.yield
    }) : () -> ()
    %mul3A_1 = arith.constant 625 : i32
    %mul3A_2 = arith.muli %arg1, %mul3A_1 : i32
    "tpu.region"() ({
      %run_scoped3A_23 = tpu.sem_alloc : memref<!tpu.dma_semaphore, #tpu.memory_space<semaphore_mem>>
      %dma_start3A_24 = arith.constant 0 : i32
      %dma_start3A_25 = tpu.memref_slice %arg11[%mul3A_2, %dma_start3A_24] : memref<10000x128xf32, #tpu.memory_space<vmem_shared>> -> memref<625x128xf32, #tpu.memory_space<vmem_shared>>
      tpu.enqueue_dma source(%arg5 : memref<625x128xf32, #tpu.memory_space<hbm>>) target(%dma_start3A_25 : memref<625x128xf32, #tpu.memory_space<vmem_shared>>) target_semaphore(%run_scoped3A_23 : memref<!tpu.dma_semaphore, #tpu.memory_space<semaphore_mem>>)
      %dma_wait3A_26 = arith.constant 0 : i32
      %dma_wait3A_27 = tpu.memref_slice %arg11[%mul3A_2, %dma_wait3A_26] : memref<10000x128xf32, #tpu.memory_space<vmem_shared>> -> memref<625x128xf32, #tpu.memory_space<vmem_shared>>
      tpu.wait_dma2 semaphore(%run_scoped3A_23 : memref<!tpu.dma_semaphore, #tpu.memory_space<semaphore_mem>>) src(%arg5 : memref<625x128xf32, #tpu.memory_space<hbm>>) dst(%dma_wait3A_27 : memref<625x128xf32, #tpu.memory_space<vmem_shared>>)
      tpu.yield
    }) : () -> ()
    %barrier3A = arith.constant 0 : index
    tpu.barrier barrier_id(%barrier3A)
    %dma_start3A = arith.constant 0 : i32
    %dma_start3A_3 = arith.constant 0 : i32
    %dma_start3A_4 = tpu.memref_slice %arg7[%dma_start3A, %dma_start3A_3] : memref<125x80xi32, #tpu.memory_space<vmem>> -> memref<1x80xi32, #tpu.memory_space<vmem>>
    %dma_start3A_5 = tpu.memref_squeeze %dma_start3A_4 : memref<1x80xi32, #tpu.memory_space<vmem>> -> memref<80xi32, #tpu.memory_space<vmem>>
    %dma_start3A_6 = arith.constant 0 : i32
    %dma_start3A_7 = arith.constant 0 : i32
    %dma_start3A_8 = tpu.memref_slice %arg2[%dma_start3A_6, %dma_start3A_7] : memref<20000x128xf32, #tpu.memory_space<hbm>> -> memref<20000x128xf32, #tpu.memory_space<hbm>>
    tpu.enqueue_indirect_dma source(%dma_start3A_8 : memref<20000x128xf32, #tpu.memory_space<hbm>>) target(%arg9 : memref<80x128xf32, #tpu.memory_space<vmem>>) offsets(%dma_start3A_5 : memref<80xi32, #tpu.memory_space<vmem>>) semaphore(%arg12 : memref<!tpu.dma_semaphore, #tpu.memory_space<semaphore_mem>>)
    %scan3A = arith.constant 0 : i32
    %scan3A_9 = arith.constant 0 : i32
    %scan3A_10 = arith.constant 62 : i32
    %scan3A_11 = arith.addi %scan3A_9, %scan3A_10 : i32
    %scan3A_12 = arith.constant 1 : i32
    scf.for %scan3A_23 = %scan3A_9 to %scan3A_11 step %scan3A_12  : i32 {
      %mul3A_24 = arith.constant 2 : i32
      %mul3A_25 = arith.muli %mul3A_24, %scan3A_23 : i32
      %add3A_26 = arith.constant 1 : i32
      %add3A_27 = arith.addi %mul3A_25, %add3A_26 : i32
      %dma_start3A_28 = arith.constant 0 : i32
      %dma_start3A_29 = tpu.memref_slice %arg7[%add3A_27, %dma_start3A_28] : memref<125x80xi32, #tpu.memory_space<vmem>> -> memref<1x80xi32, #tpu.memory_space<vmem>>
      %dma_start3A_30 = tpu.memref_squeeze %dma_start3A_29 : memref<1x80xi32, #tpu.memory_space<vmem>> -> memref<80xi32, #tpu.memory_space<vmem>>
      %dma_start3A_31 = arith.constant 0 : i32
      %dma_start3A_32 = arith.constant 0 : i32
      %dma_start3A_33 = tpu.memref_slice %arg2[%dma_start3A_31, %dma_start3A_32] : memref<20000x128xf32, #tpu.memory_space<hbm>> -> memref<20000x128xf32, #tpu.memory_space<hbm>>
      tpu.enqueue_indirect_dma source(%dma_start3A_33 : memref<20000x128xf32, #tpu.memory_space<hbm>>) target(%arg10 : memref<80x128xf32, #tpu.memory_space<vmem>>) offsets(%dma_start3A_30 : memref<80xi32, #tpu.memory_space<vmem>>) semaphore(%arg13 : memref<!tpu.dma_semaphore, #tpu.memory_space<semaphore_mem>>)
      %dma_wait3A_34 = arith.constant 0 : i32
      %dma_wait3A_35 = tpu.memref_slice %arg7[%mul3A_25, %dma_wait3A_34] : memref<125x80xi32, #tpu.memory_space<vmem>> -> memref<1x80xi32, #tpu.memory_space<vmem>>
      %dma_wait3A_36 = tpu.memref_squeeze %dma_wait3A_35 : memref<1x80xi32, #tpu.memory_space<vmem>> -> memref<80xi32, #tpu.memory_space<vmem>>
      %dma_wait3A_37 = arith.constant 0 : i32
      %dma_wait3A_38 = arith.constant 0 : i32
      %dma_wait3A_39 = tpu.memref_slice %arg2[%dma_wait3A_37, %dma_wait3A_38] : memref<20000x128xf32, #tpu.memory_space<hbm>> -> memref<20000x128xf32, #tpu.memory_space<hbm>>
      tpu.wait_indirect_dma semaphore(%arg12 : memref<!tpu.dma_semaphore, #tpu.memory_space<semaphore_mem>>) src(%dma_wait3A_39 : memref<20000x128xf32, #tpu.memory_space<hbm>>) dst(%arg9 : memref<80x128xf32, #tpu.memory_space<vmem>>)
      "tpu.region"() ({
        %run_scoped3A_56 = tpu.sem_alloc : memref<!tpu.dma_semaphore, #tpu.memory_space<semaphore_mem>>
        %dma_start3A_57 = arith.constant 0 : i32
        %dma_start3A_58 = tpu.memref_slice %arg8[%mul3A_25, %dma_start3A_57] : memref<125x80xi32, #tpu.memory_space<vmem>> -> memref<1x80xi32, #tpu.memory_space<vmem>>
        %dma_start3A_59 = tpu.memref_squeeze %dma_start3A_58 : memref<1x80xi32, #tpu.memory_space<vmem>> -> memref<80xi32, #tpu.memory_space<vmem>>
        %dma_start3A_60 = arith.constant 0 : i32
        %dma_start3A_61 = arith.constant 0 : i32
        %dma_start3A_62 = tpu.memref_slice %arg11[%dma_start3A_60, %dma_start3A_61] : memref<10000x128xf32, #tpu.memory_space<vmem_shared>> -> memref<10000x128xf32, #tpu.memory_space<vmem_shared>>
        tpu.enqueue_indirect_dma source(%arg9 : memref<80x128xf32, #tpu.memory_space<vmem>>) target(%dma_start3A_62 : memref<10000x128xf32, #tpu.memory_space<vmem_shared>>) offsets(%dma_start3A_59 : memref<80xi32, #tpu.memory_space<vmem>>) semaphore(%run_scoped3A_56 : memref<!tpu.dma_semaphore, #tpu.memory_space<semaphore_mem>>) {add = true}
        %dma_wait3A_63 = arith.constant 0 : i32
        %dma_wait3A_64 = tpu.memref_slice %arg8[%mul3A_25, %dma_wait3A_63] : memref<125x80xi32, #tpu.memory_space<vmem>> -> memref<1x80xi32, #tpu.memory_space<vmem>>
        %dma_wait3A_65 = tpu.memref_squeeze %dma_wait3A_64 : memref<1x80xi32, #tpu.memory_space<vmem>> -> memref<80xi32, #tpu.memory_space<vmem>>
        %dma_wait3A_66 = arith.constant 0 : i32
        %dma_wait3A_67 = arith.constant 0 : i32
        %dma_wait3A_68 = tpu.memref_slice %arg11[%dma_wait3A_66, %dma_wait3A_67] : memref<10000x128xf32, #tpu.memory_space<vmem_shared>> -> memref<10000x128xf32, #tpu.memory_space<vmem_shared>>
        tpu.wait_indirect_dma semaphore(%run_scoped3A_56 : memref<!tpu.dma_semaphore, #tpu.memory_space<semaphore_mem>>) src(%arg9 : memref<80x128xf32, #tpu.memory_space<vmem>>) dst(%dma_wait3A_68 : memref<10000x128xf32, #tpu.memory_space<vmem_shared>>)
        tpu.yield
      }) : () -> ()
      %add3A_40 = arith.constant 2 : i32
      %add3A_41 = arith.addi %mul3A_25, %add3A_40 : i32
      %dma_start3A_42 = arith.constant 0 : i32
      %dma_start3A_43 = tpu.memref_slice %arg7[%add3A_41, %dma_start3A_42] : memref<125x80xi32, #tpu.memory_space<vmem>> -> memref<1x80xi32, #tpu.memory_space<vmem>>
      %dma_start3A_44 = tpu.memref_squeeze %dma_start3A_43 : memref<1x80xi32, #tpu.memory_space<vmem>> -> memref<80xi32, #tpu.memory_space<vmem>>
      %dma_start3A_45 = arith.constant 0 : i32
      %dma_start3A_46 = arith.constant 0 : i32
      %dma_start3A_47 = tpu.memref_slice %arg2[%dma_start3A_45, %dma_start3A_46] : memref<20000x128xf32, #tpu.memory_space<hbm>> -> memref<20000x128xf32, #tpu.memory_space<hbm>>
      tpu.enqueue_indirect_dma source(%dma_start3A_47 : memref<20000x128xf32, #tpu.memory_space<hbm>>) target(%arg9 : memref<80x128xf32, #tpu.memory_space<vmem>>) offsets(%dma_start3A_44 : memref<80xi32, #tpu.memory_space<vmem>>) semaphore(%arg12 : memref<!tpu.dma_semaphore, #tpu.memory_space<semaphore_mem>>)
      %add3A_48 = arith.constant 1 : i32
      %add3A_49 = arith.addi %mul3A_25, %add3A_48 : i32
      %dma_wait3A_50 = arith.constant 0 : i32
      %dma_wait3A_51 = tpu.memref_slice %arg7[%add3A_49, %dma_wait3A_50] : memref<125x80xi32, #tpu.memory_space<vmem>> -> memref<1x80xi32, #tpu.memory_space<vmem>>
      %dma_wait3A_52 = tpu.memref_squeeze %dma_wait3A_51 : memref<1x80xi32, #tpu.memory_space<vmem>> -> memref<80xi32, #tpu.memory_space<vmem>>
      %dma_wait3A_53 = arith.constant 0 : i32
      %dma_wait3A_54 = arith.constant 0 : i32
      %dma_wait3A_55 = tpu.memref_slice %arg2[%dma_wait3A_53, %dma_wait3A_54] : memref<20000x128xf32, #tpu.memory_space<hbm>> -> memref<20000x128xf32, #tpu.memory_space<hbm>>
      tpu.wait_indirect_dma semaphore(%arg13 : memref<!tpu.dma_semaphore, #tpu.memory_space<semaphore_mem>>) src(%dma_wait3A_55 : memref<20000x128xf32, #tpu.memory_space<hbm>>) dst(%arg10 : memref<80x128xf32, #tpu.memory_space<vmem>>)
      "tpu.region"() ({
        %run_scoped3A_56 = tpu.sem_alloc : memref<!tpu.dma_semaphore, #tpu.memory_space<semaphore_mem>>
        %dma_start3A_57 = arith.constant 0 : i32
        %dma_start3A_58 = tpu.memref_slice %arg8[%add3A_49, %dma_start3A_57] : memref<125x80xi32, #tpu.memory_space<vmem>> -> memref<1x80xi32, #tpu.memory_space<vmem>>
        %dma_start3A_59 = tpu.memref_squeeze %dma_start3A_58 : memref<1x80xi32, #tpu.memory_space<vmem>> -> memref<80xi32, #tpu.memory_space<vmem>>
        %dma_start3A_60 = arith.constant 0 : i32
        %dma_start3A_61 = arith.constant 0 : i32
        %dma_start3A_62 = tpu.memref_slice %arg11[%dma_start3A_60, %dma_start3A_61] : memref<10000x128xf32, #tpu.memory_space<vmem_shared>> -> memref<10000x128xf32, #tpu.memory_space<vmem_shared>>
        tpu.enqueue_indirect_dma source(%arg10 : memref<80x128xf32, #tpu.memory_space<vmem>>) target(%dma_start3A_62 : memref<10000x128xf32, #tpu.memory_space<vmem_shared>>) offsets(%dma_start3A_59 : memref<80xi32, #tpu.memory_space<vmem>>) semaphore(%run_scoped3A_56 : memref<!tpu.dma_semaphore, #tpu.memory_space<semaphore_mem>>) {add = true}
        %dma_wait3A_63 = arith.constant 0 : i32
        %dma_wait3A_64 = tpu.memref_slice %arg8[%add3A_49, %dma_wait3A_63] : memref<125x80xi32, #tpu.memory_space<vmem>> -> memref<1x80xi32, #tpu.memory_space<vmem>>
        %dma_wait3A_65 = tpu.memref_squeeze %dma_wait3A_64 : memref<1x80xi32, #tpu.memory_space<vmem>> -> memref<80xi32, #tpu.memory_space<vmem>>
        %dma_wait3A_66 = arith.constant 0 : i32
        %dma_wait3A_67 = arith.constant 0 : i32
        %dma_wait3A_68 = tpu.memref_slice %arg11[%dma_wait3A_66, %dma_wait3A_67] : memref<10000x128xf32, #tpu.memory_space<vmem_shared>> -> memref<10000x128xf32, #tpu.memory_space<vmem_shared>>
        tpu.wait_indirect_dma semaphore(%run_scoped3A_56 : memref<!tpu.dma_semaphore, #tpu.memory_space<semaphore_mem>>) src(%arg10 : memref<80x128xf32, #tpu.memory_space<vmem>>) dst(%dma_wait3A_68 : memref<10000x128xf32, #tpu.memory_space<vmem_shared>>)
        tpu.yield
      }) : () -> ()
    }
    %scan3A_13 = arith.constant 62 : i32
    %dma_wait3A = arith.constant 124 : i32
    %dma_wait3A_14 = arith.constant 0 : i32
    %dma_wait3A_15 = tpu.memref_slice %arg7[%dma_wait3A, %dma_wait3A_14] : memref<125x80xi32, #tpu.memory_space<vmem>> -> memref<1x80xi32, #tpu.memory_space<vmem>>
    %dma_wait3A_16 = tpu.memref_squeeze %dma_wait3A_15 : memref<1x80xi32, #tpu.memory_space<vmem>> -> memref<80xi32, #tpu.memory_space<vmem>>
    %dma_wait3A_17 = arith.constant 0 : i32
    %dma_wait3A_18 = arith.constant 0 : i32
    %dma_wait3A_19 = tpu.memref_slice %arg2[%dma_wait3A_17, %dma_wait3A_18] : memref<20000x128xf32, #tpu.memory_space<hbm>> -> memref<20000x128xf32, #tpu.memory_space<hbm>>
    tpu.wait_indirect_dma semaphore(%arg12 : memref<!tpu.dma_semaphore, #tpu.memory_space<semaphore_mem>>) src(%dma_wait3A_19 : memref<20000x128xf32, #tpu.memory_space<hbm>>) dst(%arg9 : memref<80x128xf32, #tpu.memory_space<vmem>>)
    %run_scoped3A = arith.constant 124 : i32
    "tpu.region"() ({
      %run_scoped3A_23 = tpu.sem_alloc : memref<!tpu.dma_semaphore, #tpu.memory_space<semaphore_mem>>
      %dma_start3A_24 = arith.constant 0 : i32
      %dma_start3A_25 = tpu.memref_slice %arg8[%run_scoped3A, %dma_start3A_24] : memref<125x80xi32, #tpu.memory_space<vmem>> -> memref<1x80xi32, #tpu.memory_space<vmem>>
      %dma_start3A_26 = tpu.memref_squeeze %dma_start3A_25 : memref<1x80xi32, #tpu.memory_space<vmem>> -> memref<80xi32, #tpu.memory_space<vmem>>
      %dma_start3A_27 = arith.constant 0 : i32
      %dma_start3A_28 = arith.constant 0 : i32
      %dma_start3A_29 = tpu.memref_slice %arg11[%dma_start3A_27, %dma_start3A_28] : memref<10000x128xf32, #tpu.memory_space<vmem_shared>> -> memref<10000x128xf32, #tpu.memory_space<vmem_shared>>
      tpu.enqueue_indirect_dma source(%arg9 : memref<80x128xf32, #tpu.memory_space<vmem>>) target(%dma_start3A_29 : memref<10000x128xf32, #tpu.memory_space<vmem_shared>>) offsets(%dma_start3A_26 : memref<80xi32, #tpu.memory_space<vmem>>) semaphore(%run_scoped3A_23 : memref<!tpu.dma_semaphore, #tpu.memory_space<semaphore_mem>>) {add = true}
      %dma_wait3A_30 = arith.constant 0 : i32
      %dma_wait3A_31 = tpu.memref_slice %arg8[%run_scoped3A, %dma_wait3A_30] : memref<125x80xi32, #tpu.memory_space<vmem>> -> memref<1x80xi32, #tpu.memory_space<vmem>>
      %dma_wait3A_32 = tpu.memref_squeeze %dma_wait3A_31 : memref<1x80xi32, #tpu.memory_space<vmem>> -> memref<80xi32, #tpu.memory_space<vmem>>
      %dma_wait3A_33 = arith.constant 0 : i32
      %dma_wait3A_34 = arith.constant 0 : i32
      %dma_wait3A_35 = tpu.memref_slice %arg11[%dma_wait3A_33, %dma_wait3A_34] : memref<10000x128xf32, #tpu.memory_space<vmem_shared>> -> memref<10000x128xf32, #tpu.memory_space<vmem_shared>>
      tpu.wait_indirect_dma semaphore(%run_scoped3A_23 : memref<!tpu.dma_semaphore, #tpu.memory_space<semaphore_mem>>) src(%arg9 : memref<80x128xf32, #tpu.memory_space<vmem>>) dst(%dma_wait3A_35 : memref<10000x128xf32, #tpu.memory_space<vmem_shared>>)
      tpu.yield
    }) : () -> ()
    %barrier3A_20 = arith.constant 0 : index
    tpu.barrier barrier_id(%barrier3A_20)
    %mul3A_21 = arith.constant 625 : i32
    %mul3A_22 = arith.muli %arg1, %mul3A_21 : i32
    "tpu.region"() ({
      %run_scoped3A_23 = tpu.sem_alloc : memref<!tpu.dma_semaphore, #tpu.memory_space<semaphore_mem>>
      %dma_start3A_24 = arith.constant 0 : i32
      %dma_start3A_25 = arith.constant 0 : i32
      %dma_start3A_26 = tpu.memref_slice %arg6[%add3A, %dma_start3A_24, %dma_start3A_25] : memref<32x625x128xf32, #tpu.memory_space<hbm>> -> memref<1x625x128xf32, #tpu.memory_space<hbm>>
      %dma_start3A_27 = tpu.memref_squeeze %dma_start3A_26 : memref<1x625x128xf32, #tpu.memory_space<hbm>> -> memref<625x128xf32, #tpu.memory_space<hbm>>
      %dma_start3A_28 = arith.constant 0 : i32
      %dma_start3A_29 = tpu.memref_slice %arg11[%mul3A_22, %dma_start3A_28] : memref<10000x128xf32, #tpu.memory_space<vmem_shared>> -> memref<625x128xf32, #tpu.memory_space<vmem_shared>>
      tpu.enqueue_dma source(%dma_start3A_29 : memref<625x128xf32, #tpu.memory_space<vmem_shared>>) target(%dma_start3A_27 : memref<625x128xf32, #tpu.memory_space<hbm>>) target_semaphore(%run_scoped3A_23 : memref<!tpu.dma_semaphore, #tpu.memory_space<semaphore_mem>>)
      %dma_wait3A_30 = arith.constant 0 : i32
      %dma_wait3A_31 = arith.constant 0 : i32
      %dma_wait3A_32 = tpu.memref_slice %arg6[%add3A, %dma_wait3A_30, %dma_wait3A_31] : memref<32x625x128xf32, #tpu.memory_space<hbm>> -> memref<1x625x128xf32, #tpu.memory_space<hbm>>
      %dma_wait3A_33 = tpu.memref_squeeze %dma_wait3A_32 : memref<1x625x128xf32, #tpu.memory_space<hbm>> -> memref<625x128xf32, #tpu.memory_space<hbm>>
      %dma_wait3A_34 = arith.constant 0 : i32
      %dma_wait3A_35 = tpu.memref_slice %arg11[%mul3A_22, %dma_wait3A_34] : memref<10000x128xf32, #tpu.memory_space<vmem_shared>> -> memref<625x128xf32, #tpu.memory_space<vmem_shared>>
      tpu.wait_dma2 semaphore(%run_scoped3A_23 : memref<!tpu.dma_semaphore, #tpu.memory_space<semaphore_mem>>) src(%dma_wait3A_35 : memref<625x128xf32, #tpu.memory_space<vmem_shared>>) dst(%dma_wait3A_33 : memref<625x128xf32, #tpu.memory_space<hbm>>)
      tpu.yield
    }) : () -> ()
    return
  }
}

module attributes {stable_mosaic.version = 14 : i64} {
  func.func @_tc_layer2_body(%arg0: i32, %arg1: memref<2x1000x128xf32, #tpu.memory_space<vmem>>, %arg2: memref<2x1000x128xf32, #tpu.memory_space<vmem>>, %arg3: memref<2x1000x16xf32, #tpu.memory_space<vmem>>, %arg4: memref<1x256xf32, #tpu.memory_space<vmem>>, %arg5: memref<256x256xf32, #tpu.memory_space<vmem>>, %arg6: memref<2x1000x128xf32, #tpu.memory_space<vmem>>) attributes {dimension_semantics = [#tpu.dimension_semantics<arbitrary>], iteration_bounds = array<i64: 10>, scalar_prefetch = 0 : i64, scratch_operands = 0 : i64, tpu.core_type = #tpu.core_type<tc>, window_params = [{transform_indices = @transform_0, window_bounds = array<i64: 2, 1000, 128>}, {transform_indices = @transform_1, window_bounds = array<i64: 2, 1000, 128>}, {transform_indices = @transform_2, window_bounds = array<i64: 2, 1000, 16>}, {pipeline_mode = #tpu.pipeline_mode<synchronous>, transform_indices = @transform_3, window_bounds = array<i64: 1, 256>}, {pipeline_mode = #tpu.pipeline_mode<synchronous>, transform_indices = @transform_4, window_bounds = array<i64: 256, 256>}, {transform_indices = @transform_5, window_bounds = array<i64: 2, 1000, 128>}]} {
    %get3A = arith.constant 0 : index
    %get3A_0 = arith.constant 0 : index
    %get3A_1 = arith.constant 0 : index
    %get3A_2 = vector.load %arg3[%get3A, %get3A_0, %get3A_1] : memref<2x1000x16xf32, #tpu.memory_space<vmem>>, vector<2x1000x16xf32>
    %slice3A = vector.extract_strided_slice %get3A_2 {offsets = [0, 0, 0], sizes = [1, 1000, 1], strides = [1, 1, 1]} : vector<2x1000x16xf32> to vector<1x1000x1xf32>
    %squeeze3A = vector.shape_cast %slice3A : vector<1x1000x1xf32> to vector<1000x1xf32>
    %slice3A_3 = vector.extract_strided_slice %get3A_2 {offsets = [1, 0, 0], sizes = [1, 1000, 1], strides = [1, 1, 1]} : vector<2x1000x16xf32> to vector<1x1000x1xf32>
    %squeeze3A_4 = vector.shape_cast %slice3A_3 : vector<1x1000x1xf32> to vector<1000x1xf32>
    %add3A = arith.addf %squeeze3A, %squeeze3A_4 : vector<1000x1xf32>
    %add3A_5 = arith.constant 1.000000e+00 : f32
    %add3A_6 = vector.broadcast %add3A_5 : f32 to vector<1000x1xf32>
    %add3A_7 = arith.addf %add3A, %add3A_6 : vector<1000x1xf32>
    %rsqrt3A = math.rsqrt %add3A_7 : vector<1000x1xf32>
    %get3A_8 = arith.constant 0 : index
    %get3A_9 = arith.constant 0 : index
    %get3A_10 = arith.constant 0 : index
    %get3A_11 = vector.load %arg1[%get3A_8, %get3A_9, %get3A_10] : memref<2x1000x128xf32, #tpu.memory_space<vmem>>, vector<1x1000x128xf32>
    %get3A_12 = vector.shape_cast %get3A_11 : vector<1x1000x128xf32> to vector<1000x128xf32>
    %get3A_13 = arith.constant 1 : index
    %get3A_14 = arith.constant 0 : index
    %get3A_15 = arith.constant 0 : index
    %get3A_16 = vector.load %arg1[%get3A_13, %get3A_14, %get3A_15] : memref<2x1000x128xf32, #tpu.memory_space<vmem>>, vector<1x1000x128xf32>
    %get3A_17 = vector.shape_cast %get3A_16 : vector<1x1000x128xf32> to vector<1000x128xf32>
    %concatenate3A = tpu.concatenate %get3A_12, %get3A_17 in 1 : vector<1000x128xf32>, vector<1000x128xf32> -> vector<1000x256xf32>
    %get3A_18 = arith.constant 0 : index
    %get3A_19 = arith.constant 0 : index
    %get3A_20 = arith.constant 0 : index
    %get3A_21 = vector.load %arg2[%get3A_18, %get3A_19, %get3A_20] : memref<2x1000x128xf32, #tpu.memory_space<vmem>>, vector<1x1000x128xf32>
    %get3A_22 = vector.shape_cast %get3A_21 : vector<1x1000x128xf32> to vector<1000x128xf32>
    %get3A_23 = arith.constant 1 : index
    %get3A_24 = arith.constant 0 : index
    %get3A_25 = arith.constant 0 : index
    %get3A_26 = vector.load %arg2[%get3A_23, %get3A_24, %get3A_25] : memref<2x1000x128xf32, #tpu.memory_space<vmem>>, vector<1x1000x128xf32>
    %get3A_27 = vector.shape_cast %get3A_26 : vector<1x1000x128xf32> to vector<1000x128xf32>
    %concatenate3A_28 = tpu.concatenate %get3A_22, %get3A_27 in 1 : vector<1000x128xf32>, vector<1000x128xf32> -> vector<1000x256xf32>
    %add3A_29 = arith.addf %concatenate3A, %concatenate3A_28 : vector<1000x256xf32>
    %mul3A = vector.broadcast %rsqrt3A : vector<1000x1xf32> to vector<1000x256xf32>
    %mul3A_30 = arith.mulf %mul3A, %add3A_29 : vector<1000x256xf32>
    %get3A_31 = arith.constant 0 : index
    %get3A_32 = arith.constant 0 : index
    %get3A_33 = vector.load %arg4[%get3A_31, %get3A_32] : memref<1x256xf32, #tpu.memory_space<vmem>>, vector<1x256xf32>
    %add3A_34 = vector.broadcast %get3A_33 : vector<1x256xf32> to vector<1000x256xf32>
    %add3A_35 = arith.addf %mul3A_30, %add3A_34 : vector<1000x256xf32>
    %max3A = arith.constant 0.000000e+00 : f32
    %max3A_36 = vector.broadcast %max3A : f32 to vector<1000x256xf32>
    %max3A_37 = arith.maximumf %add3A_35, %max3A_36 : vector<1000x256xf32>
    %get3A_38 = arith.constant 0 : index
    %get3A_39 = arith.constant 0 : index
    %get3A_40 = vector.load %arg5[%get3A_38, %get3A_39] : memref<256x256xf32, #tpu.memory_space<vmem>>, vector<256x256xf32>
    %dot_general3A = arith.constant dense<0.000000e+00> : vector<1000x256xf32>
    %dot_general3A_41 = tpu.matmul %max3A_37, %get3A_40, %dot_general3A {dimension_numbers = #tpu.dot_dimension_numbers<[1], [0], [0], [1], [0, 0, 1, 1], [], []>, transpose_lhs_hint = false} : vector<1000x256xf32>, vector<256x256xf32>, vector<1000x256xf32> -> vector<1000x256xf32>
    %mul3A_42 = vector.broadcast %rsqrt3A : vector<1000x1xf32> to vector<1000x256xf32>
    %mul3A_43 = arith.mulf %dot_general3A_41, %mul3A_42 : vector<1000x256xf32>
    %slice3A_44 = vector.extract_strided_slice %mul3A_43 {offsets = [0, 0], sizes = [1000, 128], strides = [1, 1]} : vector<1000x256xf32> to vector<1000x128xf32>
    %swap3A = arith.constant 0 : index
    %swap3A_45 = arith.constant 0 : index
    %swap3A_46 = arith.constant 0 : index
    %swap3A_47 = vector.load %arg6[%swap3A, %swap3A_45, %swap3A_46] : memref<2x1000x128xf32, #tpu.memory_space<vmem>>, vector<1x1000x128xf32>
    %swap3A_48 = vector.shape_cast %swap3A_47 : vector<1x1000x128xf32> to vector<1000x128xf32>
    %swap3A_49 = vector.shape_cast %slice3A_44 : vector<1000x128xf32> to vector<1x1000x128xf32>
    tpu.vector_store %arg6[%swap3A, %swap3A_45, %swap3A_46], %swap3A_49 {strides = array<i32>} : memref<2x1000x128xf32, #tpu.memory_space<vmem>>, vector<1x1000x128xf32>,
    %slice3A_50 = vector.extract_strided_slice %mul3A_43 {offsets = [0, 128], sizes = [1000, 128], strides = [1, 1]} : vector<1000x256xf32> to vector<1000x128xf32>
    %swap3A_51 = arith.constant 1 : index
    %swap3A_52 = arith.constant 0 : index
    %swap3A_53 = arith.constant 0 : index
    %swap3A_54 = vector.load %arg6[%swap3A_51, %swap3A_52, %swap3A_53] : memref<2x1000x128xf32, #tpu.memory_space<vmem>>, vector<1x1000x128xf32>
    %swap3A_55 = vector.shape_cast %swap3A_54 : vector<1x1000x128xf32> to vector<1000x128xf32>
    %swap3A_56 = vector.shape_cast %slice3A_50 : vector<1000x128xf32> to vector<1x1000x128xf32>
    tpu.vector_store %arg6[%swap3A_51, %swap3A_52, %swap3A_53], %swap3A_56 {strides = array<i32>} : memref<2x1000x128xf32, #tpu.memory_space<vmem>>, vector<1x1000x128xf32>,
    return
  }
  func.func @transform_0(%arg0: i32) -> (i32, i32, i32) {
    %c0_i32 = arith.constant 0 : i32
    %c0_i32_0 = arith.constant 0 : i32
    %c0_i32_1 = arith.constant 0 : i32
    return %c0_i32, %arg0, %c0_i32_0 : i32, i32, i32
  }
  func.func @transform_1(%arg0: i32) -> (i32, i32, i32) {
    %c0_i32 = arith.constant 0 : i32
    %c0_i32_0 = arith.constant 0 : i32
    %c0_i32_1 = arith.constant 0 : i32
    return %c0_i32, %arg0, %c0_i32_0 : i32, i32, i32
  }
  func.func @transform_2(%arg0: i32) -> (i32, i32, i32) {
    %c0_i32 = arith.constant 0 : i32
    %c0_i32_0 = arith.constant 0 : i32
    %c0_i32_1 = arith.constant 0 : i32
    return %c0_i32, %arg0, %c0_i32_0 : i32, i32, i32
  }
  func.func @transform_3(%arg0: i32) -> (i32, i32) {
    %c0_i32 = arith.constant 0 : i32
    %c0_i32_0 = arith.constant 0 : i32
    %c0_i32_1 = arith.constant 0 : i32
    return %c0_i32, %c0_i32_0 : i32, i32
  }
  func.func @transform_4(%arg0: i32) -> (i32, i32) {
    %c0_i32 = arith.constant 0 : i32
    %c0_i32_0 = arith.constant 0 : i32
    %c0_i32_1 = arith.constant 0 : i32
    return %c0_i32, %c0_i32_0 : i32, i32
  }
  func.func @transform_5(%arg0: i32) -> (i32, i32, i32) {
    %c0_i32 = arith.constant 0 : i32
    %c0_i32_0 = arith.constant 0 : i32
    %c0_i32_1 = arith.constant 0 : i32
    return %c0_i32, %arg0, %c0_i32_0 : i32, i32, i32
  }
}

module attributes {stable_mosaic.version = 14 : i64} {
  func.func @_tc_xw_body(%arg0: i32, %arg1: memref<1000x256xf32, #tpu.memory_space<vmem>>, %arg2: memref<256x256xf32, #tpu.memory_space<vmem>>, %arg3: memref<2x1000x16xf32, #tpu.memory_space<vmem>>, %arg4: memref<2x1000x128xf32, #tpu.memory_space<vmem>>) attributes {dimension_semantics = [#tpu.dimension_semantics<arbitrary>], iteration_bounds = array<i64: 10>, scalar_prefetch = 0 : i64, scratch_operands = 0 : i64, tpu.core_type = #tpu.core_type<tc>, window_params = [{transform_indices = @transform_0, window_bounds = array<i64: 1000, 256>}, {pipeline_mode = #tpu.pipeline_mode<synchronous>, transform_indices = @transform_1, window_bounds = array<i64: 256, 256>}, {transform_indices = @transform_2, window_bounds = array<i64: 2, 1000, 16>}, {transform_indices = @transform_3, window_bounds = array<i64: 2, 1000, 128>}]} {
    %get3A = arith.constant 0 : index
    %get3A_0 = arith.constant 0 : index
    %get3A_1 = arith.constant 0 : index
    %get3A_2 = vector.load %arg3[%get3A, %get3A_0, %get3A_1] : memref<2x1000x16xf32, #tpu.memory_space<vmem>>, vector<2x1000x16xf32>
    %slice3A = vector.extract_strided_slice %get3A_2 {offsets = [0, 0, 0], sizes = [1, 1000, 1], strides = [1, 1, 1]} : vector<2x1000x16xf32> to vector<1x1000x1xf32>
    %squeeze3A = vector.shape_cast %slice3A : vector<1x1000x1xf32> to vector<1000x1xf32>
    %slice3A_3 = vector.extract_strided_slice %get3A_2 {offsets = [1, 0, 0], sizes = [1, 1000, 1], strides = [1, 1, 1]} : vector<2x1000x16xf32> to vector<1x1000x1xf32>
    %squeeze3A_4 = vector.shape_cast %slice3A_3 : vector<1x1000x1xf32> to vector<1000x1xf32>
    %add3A = arith.addf %squeeze3A, %squeeze3A_4 : vector<1000x1xf32>
    %add3A_5 = arith.constant 1.000000e+00 : f32
    %add3A_6 = vector.broadcast %add3A_5 : f32 to vector<1000x1xf32>
    %add3A_7 = arith.addf %add3A, %add3A_6 : vector<1000x1xf32>
    %rsqrt3A = math.rsqrt %add3A_7 : vector<1000x1xf32>
    %get3A_8 = arith.constant 0 : index
    %get3A_9 = arith.constant 0 : index
    %get3A_10 = vector.load %arg1[%get3A_8, %get3A_9] : memref<1000x256xf32, #tpu.memory_space<vmem>>, vector<1000x256xf32>
    %get3A_11 = arith.constant 0 : index
    %get3A_12 = arith.constant 0 : index
    %get3A_13 = vector.load %arg2[%get3A_11, %get3A_12] : memref<256x256xf32, #tpu.memory_space<vmem>>, vector<256x256xf32>
    %dot_general3A = arith.constant dense<0.000000e+00> : vector<1000x256xf32>
    %dot_general3A_14 = tpu.matmul %get3A_10, %get3A_13, %dot_general3A {dimension_numbers = #tpu.dot_dimension_numbers<[1], [0], [0], [1], [0, 0, 1, 1], [], []>, transpose_lhs_hint = false} : vector<1000x256xf32>, vector<256x256xf32>, vector<1000x256xf32> -> vector<1000x256xf32>
    %mul3A = vector.broadcast %rsqrt3A : vector<1000x1xf32> to vector<1000x256xf32>
    %mul3A_15 = arith.mulf %dot_general3A_14, %mul3A : vector<1000x256xf32>
    %slice3A_16 = vector.extract_strided_slice %mul3A_15 {offsets = [0, 0], sizes = [1000, 128], strides = [1, 1]} : vector<1000x256xf32> to vector<1000x128xf32>
    %swap3A = arith.constant 0 : index
    %swap3A_17 = arith.constant 0 : index
    %swap3A_18 = arith.constant 0 : index
    %swap3A_19 = vector.load %arg4[%swap3A, %swap3A_17, %swap3A_18] : memref<2x1000x128xf32, #tpu.memory_space<vmem>>, vector<1x1000x128xf32>
    %swap3A_20 = vector.shape_cast %swap3A_19 : vector<1x1000x128xf32> to vector<1000x128xf32>
    %swap3A_21 = vector.shape_cast %slice3A_16 : vector<1000x128xf32> to vector<1x1000x128xf32>
    tpu.vector_store %arg4[%swap3A, %swap3A_17, %swap3A_18], %swap3A_21 {strides = array<i32>} : memref<2x1000x128xf32, #tpu.memory_space<vmem>>, vector<1x1000x128xf32>,
    %slice3A_22 = vector.extract_strided_slice %mul3A_15 {offsets = [0, 128], sizes = [1000, 128], strides = [1, 1]} : vector<1000x256xf32> to vector<1000x128xf32>
    %swap3A_23 = arith.constant 1 : index
    %swap3A_24 = arith.constant 0 : index
    %swap3A_25 = arith.constant 0 : index
    %swap3A_26 = vector.load %arg4[%swap3A_23, %swap3A_24, %swap3A_25] : memref<2x1000x128xf32, #tpu.memory_space<vmem>>, vector<1x1000x128xf32>
    %swap3A_27 = vector.shape_cast %swap3A_26 : vector<1x1000x128xf32> to vector<1000x128xf32>
    %swap3A_28 = vector.shape_cast %slice3A_22 : vector<1000x128xf32> to vector<1x1000x128xf32>
    tpu.vector_store %arg4[%swap3A_23, %swap3A_24, %swap3A_25], %swap3A_28 {strides = array<i32>} : memref<2x1000x128xf32, #tpu.memory_space<vmem>>, vector<1x1000x128xf32>,
    return
  }
  func.func @transform_0(%arg0: i32) -> (i32, i32) {
    %c0_i32 = arith.constant 0 : i32
    %c0_i32_0 = arith.constant 0 : i32
    return %arg0, %c0_i32 : i32, i32
  }
  func.func @transform_1(%arg0: i32) -> (i32, i32) {
    %c0_i32 = arith.constant 0 : i32
    %c0_i32_0 = arith.constant 0 : i32
    %c0_i32_1 = arith.constant 0 : i32
    return %c0_i32, %c0_i32_0 : i32, i32
  }
  func.func @transform_2(%arg0: i32) -> (i32, i32, i32) {
    %c0_i32 = arith.constant 0 : i32
    %c0_i32_0 = arith.constant 0 : i32
    %c0_i32_1 = arith.constant 0 : i32
    return %c0_i32, %arg0, %c0_i32_0 : i32, i32, i32
  }
  func.func @transform_3(%arg0: i32) -> (i32, i32, i32) {
    %c0_i32 = arith.constant 0 : i32
    %c0_i32_0 = arith.constant 0 : i32
    %c0_i32_1 = arith.constant 0 : i32
    return %c0_i32, %arg0, %c0_i32_0 : i32, i32, i32
  }
}

module attributes {stable_mosaic.version = 14 : i64} {
  func.func @_tc_out_body(%arg0: i32, %arg1: memref<2x1000x128xf32, #tpu.memory_space<vmem>>, %arg2: memref<2x1000x128xf32, #tpu.memory_space<vmem>>, %arg3: memref<2x1000x16xf32, #tpu.memory_space<vmem>>, %arg4: memref<1x256xf32, #tpu.memory_space<vmem>>, %arg5: memref<1000x256xf32, #tpu.memory_space<vmem>>) attributes {dimension_semantics = [#tpu.dimension_semantics<arbitrary>], iteration_bounds = array<i64: 10>, scalar_prefetch = 0 : i64, scratch_operands = 0 : i64, tpu.core_type = #tpu.core_type<tc>, window_params = [{transform_indices = @transform_0, window_bounds = array<i64: 2, 1000, 128>}, {transform_indices = @transform_1, window_bounds = array<i64: 2, 1000, 128>}, {transform_indices = @transform_2, window_bounds = array<i64: 2, 1000, 16>}, {pipeline_mode = #tpu.pipeline_mode<synchronous>, transform_indices = @transform_3, window_bounds = array<i64: 1, 256>}, {transform_indices = @transform_4, window_bounds = array<i64: 1000, 256>}]} {
    %get3A = arith.constant 0 : index
    %get3A_0 = arith.constant 0 : index
    %get3A_1 = arith.constant 0 : index
    %get3A_2 = vector.load %arg3[%get3A, %get3A_0, %get3A_1] : memref<2x1000x16xf32, #tpu.memory_space<vmem>>, vector<2x1000x16xf32>
    %slice3A = vector.extract_strided_slice %get3A_2 {offsets = [0, 0, 0], sizes = [1, 1000, 1], strides = [1, 1, 1]} : vector<2x1000x16xf32> to vector<1x1000x1xf32>
    %squeeze3A = vector.shape_cast %slice3A : vector<1x1000x1xf32> to vector<1000x1xf32>
    %slice3A_3 = vector.extract_strided_slice %get3A_2 {offsets = [1, 0, 0], sizes = [1, 1000, 1], strides = [1, 1, 1]} : vector<2x1000x16xf32> to vector<1x1000x1xf32>
    %squeeze3A_4 = vector.shape_cast %slice3A_3 : vector<1x1000x1xf32> to vector<1000x1xf32>
    %add3A = arith.addf %squeeze3A, %squeeze3A_4 : vector<1000x1xf32>
    %add3A_5 = arith.constant 1.000000e+00 : f32
    %add3A_6 = vector.broadcast %add3A_5 : f32 to vector<1000x1xf32>
    %add3A_7 = arith.addf %add3A, %add3A_6 : vector<1000x1xf32>
    %rsqrt3A = math.rsqrt %add3A_7 : vector<1000x1xf32>
    %get3A_8 = arith.constant 0 : index
    %get3A_9 = arith.constant 0 : index
    %get3A_10 = arith.constant 0 : index
    %get3A_11 = vector.load %arg1[%get3A_8, %get3A_9, %get3A_10] : memref<2x1000x128xf32, #tpu.memory_space<vmem>>, vector<1x1000x128xf32>
    %get3A_12 = vector.shape_cast %get3A_11 : vector<1x1000x128xf32> to vector<1000x128xf32>
    %get3A_13 = arith.constant 1 : index
    %get3A_14 = arith.constant 0 : index
    %get3A_15 = arith.constant 0 : index
    %get3A_16 = vector.load %arg1[%get3A_13, %get3A_14, %get3A_15] : memref<2x1000x128xf32, #tpu.memory_space<vmem>>, vector<1x1000x128xf32>
    %get3A_17 = vector.shape_cast %get3A_16 : vector<1x1000x128xf32> to vector<1000x128xf32>
    %concatenate3A = tpu.concatenate %get3A_12, %get3A_17 in 1 : vector<1000x128xf32>, vector<1000x128xf32> -> vector<1000x256xf32>
    %get3A_18 = arith.constant 0 : index
    %get3A_19 = arith.constant 0 : index
    %get3A_20 = arith.constant 0 : index
    %get3A_21 = vector.load %arg2[%get3A_18, %get3A_19, %get3A_20] : memref<2x1000x128xf32, #tpu.memory_space<vmem>>, vector<1x1000x128xf32>
    %get3A_22 = vector.shape_cast %get3A_21 : vector<1x1000x128xf32> to vector<1000x128xf32>
    %get3A_23 = arith.constant 1 : index
    %get3A_24 = arith.constant 0 : index
    %get3A_25 = arith.constant 0 : index
    %get3A_26 = vector.load %arg2[%get3A_23, %get3A_24, %get3A_25] : memref<2x1000x128xf32, #tpu.memory_space<vmem>>, vector<1x1000x128xf32>
    %get3A_27 = vector.shape_cast %get3A_26 : vector<1x1000x128xf32> to vector<1000x128xf32>
    %concatenate3A_28 = tpu.concatenate %get3A_22, %get3A_27 in 1 : vector<1000x128xf32>, vector<1000x128xf32> -> vector<1000x256xf32>
    %add3A_29 = arith.addf %concatenate3A, %concatenate3A_28 : vector<1000x256xf32>
    %mul3A = vector.broadcast %rsqrt3A : vector<1000x1xf32> to vector<1000x256xf32>
    %mul3A_30 = arith.mulf %mul3A, %add3A_29 : vector<1000x256xf32>
    %get3A_31 = arith.constant 0 : index
    %get3A_32 = arith.constant 0 : index
    %get3A_33 = vector.load %arg4[%get3A_31, %get3A_32] : memref<1x256xf32, #tpu.memory_space<vmem>>, vector<1x256xf32>
    %add3A_34 = vector.broadcast %get3A_33 : vector<1x256xf32> to vector<1000x256xf32>
    %add3A_35 = arith.addf %mul3A_30, %add3A_34 : vector<1000x256xf32>
    %swap3A = arith.constant 0 : index
    %swap3A_36 = arith.constant 0 : index
    %swap3A_37 = vector.load %arg5[%swap3A, %swap3A_36] : memref<1000x256xf32, #tpu.memory_space<vmem>>, vector<1000x256xf32>
    tpu.vector_store %arg5[%swap3A, %swap3A_36], %add3A_35 {strides = array<i32>} : memref<1000x256xf32, #tpu.memory_space<vmem>>, vector<1000x256xf32>,
    return
  }
  func.func @transform_0(%arg0: i32) -> (i32, i32, i32) {
    %c0_i32 = arith.constant 0 : i32
    %c0_i32_0 = arith.constant 0 : i32
    %c0_i32_1 = arith.constant 0 : i32
    return %c0_i32, %arg0, %c0_i32_0 : i32, i32, i32
  }
  func.func @transform_1(%arg0: i32) -> (i32, i32, i32) {
    %c0_i32 = arith.constant 0 : i32
    %c0_i32_0 = arith.constant 0 : i32
    %c0_i32_1 = arith.constant 0 : i32
    return %c0_i32, %arg0, %c0_i32_0 : i32, i32, i32
  }
  func.func @transform_2(%arg0: i32) -> (i32, i32, i32) {
    %c0_i32 = arith.constant 0 : i32
    %c0_i32_0 = arith.constant 0 : i32
    %c0_i32_1 = arith.constant 0 : i32
    return %c0_i32, %arg0, %c0_i32_0 : i32, i32, i32
  }
  func.func @transform_3(%arg0: i32) -> (i32, i32) {
    %c0_i32 = arith.constant 0 : i32
    %c0_i32_0 = arith.constant 0 : i32
    %c0_i32_1 = arith.constant 0 : i32
    return %c0_i32, %c0_i32_0 : i32, i32
  }
  func.func @transform_4(%arg0: i32) -> (i32, i32) {
    %c0_i32 = arith.constant 0 : i32
    %c0_i32_0 = arith.constant 0 : i32
    return %arg0, %c0_i32 : i32, i32
  }
}

module attributes {stable_mosaic.version = 14 : i64} {
  func.func @_tc_dec_body(%arg0: i32, %arg1: i32, %arg2: memref<2000x128xf32, #tpu.memory_space<vmem>>, %arg3: memref<2048x128xf32, #tpu.memory_space<vmem>>, %arg4: memref<2000x2048xf32, #tpu.memory_space<vmem>>) attributes {dimension_semantics = [#tpu.dimension_semantics<arbitrary>, #tpu.dimension_semantics<arbitrary>], iteration_bounds = array<i64: 5, 5>, scalar_prefetch = 0 : i64, scratch_operands = 0 : i64, tpu.core_type = #tpu.core_type<tc>, window_params = [{transform_indices = @transform_0, window_bounds = array<i64: 2000, 128>}, {transform_indices = @transform_1, window_bounds = array<i64: 2048, 128>}, {transform_indices = @transform_2, window_bounds = array<i64: 2000, 2048>}]} {
    %get3A = arith.constant 0 : index
    %get3A_0 = arith.constant 0 : index
    %get3A_1 = vector.load %arg2[%get3A, %get3A_0] : memref<2000x128xf32, #tpu.memory_space<vmem>>, vector<2000x128xf32>
    %get3A_2 = arith.constant 0 : index
    %get3A_3 = arith.constant 0 : index
    %get3A_4 = vector.load %arg3[%get3A_2, %get3A_3] : memref<2048x128xf32, #tpu.memory_space<vmem>>, vector<2048x128xf32>
    %dot_general3A = arith.constant dense<0.000000e+00> : vector<2000x2048xf32>
    %dot_general3A_5 = tpu.matmul %get3A_1, %get3A_4, %dot_general3A {dimension_numbers = #tpu.dot_dimension_numbers<[1], [1], [0], [0], [0, 0, 1, 0], [], []>, transpose_lhs_hint = false} : vector<2000x128xf32>, vector<2048x128xf32>, vector<2000x2048xf32> -> vector<2000x2048xf32>
    %logistic3A = arith.negf %dot_general3A_5 : vector<2000x2048xf32>
    %logistic3A_6 = math.exp %logistic3A : vector<2000x2048xf32>
    %logistic3A_7 = arith.constant 1.000000e+00 : f32
    %logistic3A_8 = vector.broadcast %logistic3A_7 : f32 to vector<2000x2048xf32>
    %logistic3A_9 = arith.addf %logistic3A_8, %logistic3A_6 : vector<2000x2048xf32>
    %logistic3A_10 = arith.divf %logistic3A_8, %logistic3A_9 : vector<2000x2048xf32>
    %swap3A = arith.constant 0 : index
    %swap3A_11 = arith.constant 0 : index
    %swap3A_12 = vector.load %arg4[%swap3A, %swap3A_11] : memref<2000x2048xf32, #tpu.memory_space<vmem>>, vector<2000x2048xf32>
    tpu.vector_store %arg4[%swap3A, %swap3A_11], %logistic3A_10 {strides = array<i32>} : memref<2000x2048xf32, #tpu.memory_space<vmem>>, vector<2000x2048xf32>,
    return
  }
  func.func @transform_0(%arg0: i32, %arg1: i32) -> (i32, i32) {
    %c0_i32 = arith.constant 0 : i32
    %c0_i32_0 = arith.constant 0 : i32
    return %arg0, %c0_i32 : i32, i32
  }
  func.func @transform_1(%arg0: i32, %arg1: i32) -> (i32, i32) {
    %c0_i32 = arith.constant 0 : i32
    %c0_i32_0 = arith.constant 0 : i32
    return %arg1, %c0_i32 : i32, i32
  }
  func.func @transform_2(%arg0: i32, %arg1: i32) -> (i32, i32) {
    %c0_i32 = arith.constant 0 : i32
    return %arg0, %arg1 : i32, i32
  }
}

</mosaic_0001>

<sc_bundles>
// kernel: kernel.12.cloned.1.call-start
scs
__scs_entry_jumppad:
0x0: {  	(pc) =	sbr.rel $0x88, $3  }
0x1: {  	(tag) =	ssettag $0x0;
	lr =	simm.s32 $0x1  }
0x2: {  	[smem:$0x3F99] =	sst lr;
	_ =	strace $0xD0000000  }
0x3: {  	_ = 	snop  }
0x4: {  	_ = 	snop  }
0x5: {  	_ = 	snop  }
0x6: {  	_ = 	snop  }
0x7: {  	_ = 	snop  }
__scs_overlays_trampoline_lowered:
0x8: {  	[smem:$0x3FA8] =	sst s0  }
0x9: {  	[smem:$0x3FA9] =	sst s1  }
0xa: {  	[smem:$0x3FAA] =	sst s2  }
0xb: {  	[smem:$0x3FAB] =	sst s3  }
0xc: {  	[smem:$0x3FAC] =	sst s4  }
0xd: {  	[smem:$0x3FAD] =	sst s5  }
0xe: {  	[smem:$0x3FAE] =	sst s6  }
0xf: {  	[smem:$0x3FAF] =	sst s7  }
0x10: {  	[smem:$0x3FB0] =	sst s8  }
0x11: {  	[smem:$0x3FB1] =	sst s9;
	s0 =	simm.s32 @!p0 $0x0  }
0x12: {  	s1 =	sld [smem:$0x3F97];
	s0 =	simm.s32 @p0 $0x1  }
0x13: {  	[smem:$0x3FB2] =	sst s0;
	s0 =	simm.s32 @!p1 $0x0  }
0x14: {  	s2 =	sld [smem:$0x3F96];
	s0 =	simm.s32 @p1 $0x1  }
0x15: {  	[smem:$0x3FB3] =	sst s0;
	s0 =	simm.s32 @!p2 $0x0  }
0x16: {  	s3 =	sld [smem:$0x3FDB];
	s0 =	simm.s32 @p2 $0x1  }
0x17: {  	s4 =	simm.s32 $0x1BF5;
	[smem:$0x3FB5] =	sst s0  }
0x18: {  	s0 =	sld [smem:$0x3F98];
	_ =	swait.ge [sflag:s4], $0x0  }
0x19: {  	s7 =	sld [smem:$0x3F99]  }
0x1a: {  	s8 =	sadd.s32 $0xFFFFE003, lr  }
0x1b: {  	s9 =	sadd.s32 $0xFFFFFEF7, lr;
	s5 =	simm.s32 $0xFFFFFFFF;
	p2 =	slt.u32 s8, $0xFFFFF086  }
0x1c: {  	p1 =	slt.u32 s9, $0xF7A;
	s5 =	simm.s32 @!p2 $0x0  }
0x1d: {  	s5 =	simm.s32 @p1 $0x1;
	p0 =	seq.s32 s7, s2  }
0x1e: {  	s7 =	smul.u32 @!p0 $0xF7A, s2;
	p2 =	seq.s32 @!p0 s5, $0x0  }
0x1f: {  	s9 =	smul.u32 $0xF7A, s1;
	s8 =	simm.s32 @!p0 $0x1BF5;
	p2 =	por !p2, p0  }
0x20: {  	[sflag:s8] =	ssyncset.s32 @!p0 $0xFFFFF086;
	s6 =	sadd.s32 @!p0 s3, s7;
	s7 =	simm.s32 @!p0 $0x108  }
0x21: {  	s3 =	sadd.s32 s3, s9;
	s6 =	sadd.s32 @!p0 $0x88, s6;
	s7 =	simm.s32 @p2 $0x1082  }
0x22: {  	[simem:s7], [sflag:s8] =	dma.local @!p0 [hbm:s6], $0xF7A  }
0x23: {  	s9 =	sor.u32 $0xD0000000, s2;
	s6 =	simm.s32 $0x108;
	_ =	swait.ge @!p0 [sflag:s8], $0x0  }
0x24: {  	s3 =	sadd.s32 $0x88, s3;
	s6 =	simm.s32 @!p1 $0x1082;
	[sflag:s4] =	ssyncset.s32 $0xFFFFF086  }
0x25: {  	[simem:s6], [sflag:s4] =	dma.local [hbm:s3], $0xF7A  }
0x26: {  	[smem:$0x3F99] =	sst s1;
	(tag) =	ssettag s2;
	_ =	strace s9  }
0x27: {  	s1 =	sld [smem:$0x3FA9]  }
0x28: {  	s2 =	sld [smem:$0x3FAA]  }
0x29: {  	s4 =	sld [smem:$0x3FAC]  }
0x2a: {  	p0 =	seq.s32 s5, $0x0;
	s5 =	sld [smem:$0x3FAD]  }
0x2b: {  	s6 =	sld [smem:$0x3FAE]  }
0x2c: {  	s7 =	sld [smem:$0x3FAF]  }
0x2d: {  	s3 =	simm.s32 $0x108;
	s8 =	sld [smem:$0x3FB0]  }
0x2e: {  	s3 =	simm.s32 @!p0 $0x1082;
	s9 =	sld [smem:$0x3FB1]  }
0x2f: {  	lr =	sadd.s32 s0, s3;
	s0 =	sld [smem:$0x3FA8]  }
0x30: {  	s3 =	sld [smem:$0x3FAB]  }
0x31: {  	[smem:$0x3FB4] =	sst s10  }
0x32: {  	s10 =	sld [smem:$0x3FB2];
	_ =	sdelay $0x3  }
0x33: {  	p0 =	seq.s32 s10, $0x1;
	s10 =	sld [smem:$0x3FB4];
	_ =	sdelay $0x3  }
0x34: {  	[smem:$0x3FB4] =	sst s10  }
0x35: {  	s10 =	sld [smem:$0x3FB3];
	_ =	sdelay $0x3  }
0x36: {  	p1 =	seq.s32 s10, $0x1;
	s10 =	sld [smem:$0x3FB4];
	_ =	sdelay $0x3  }
0x37: {  	[smem:$0x3FB4] =	sst s10  }
0x38: {  	s10 =	sld [smem:$0x3FB5]  }
0x39: {  	_ = 	snop;
	(pc) =	sbr.ind lr, $3  }
0x3a: {  	_ = 	snop  }
0x3b: {  	_ = 	snop  }
0x3c: {  	p2 =	seq.s32 s10, $0x1;
	s10 =	sld [smem:$0x3FB4]  }
0x3d: {  	_ =	shalt  }
0x3e: {  	_ =	shalt  }
0x3f: {  	_ =	shalt  }
0x40: {  	_ =	shalt  }
0x41: {  	_ =	shalt  }
0x42: {  	_ =	shalt  }
0x43: {  	_ =	shalt  }
0x44: {  	_ =	shalt  }
0x45: {  	_ =	shalt  }
0x46: {  	_ =	shalt  }
0x47: {  	_ =	shalt  }
0x48: {  	_ =	shalt  }
0x49: {  	_ =	shalt  }
0x4a: {  	_ =	shalt  }
0x4b: {  	_ =	shalt  }
0x4c: {  	_ =	shalt  }
0x4d: {  	_ =	shalt  }
0x4e: {  	_ =	shalt  }
0x4f: {  	_ =	shalt  }
0x50: {  	_ =	shalt  }
0x51: {  	_ =	shalt  }
0x52: {  	_ =	shalt  }
0x53: {  	_ =	shalt  }
0x54: {  	_ =	shalt  }
0x55: {  	_ =	shalt  }
0x56: {  	_ =	shalt  }
0x57: {  	_ =	shalt  }
0x58: {  	_ =	shalt  }
0x59: {  	_ =	shalt  }
0x5a: {  	_ =	shalt  }
0x5b: {  	_ =	shalt  }
0x5c: {  	_ =	shalt  }
0x5d: {  	_ =	shalt  }
0x5e: {  	_ =	shalt  }
0x5f: {  	_ =	shalt  }
0x60: {  	_ =	shalt  }
0x61: {  	_ =	shalt  }
0x62: {  	_ =	shalt  }
0x63: {  	_ =	shalt  }
0x64: {  	_ =	shalt  }
0x65: {  	_ =	shalt  }
0x66: {  	_ =	shalt  }
0x67: {  	_ =	shalt  }
0x68: {  	_ =	shalt  }
0x69: {  	_ =	shalt  }
0x6a: {  	_ =	shalt  }
0x6b: {  	_ =	shalt  }
0x6c: {  	_ =	shalt  }
0x6d: {  	_ =	shalt  }
0x6e: {  	_ =	shalt  }
0x6f: {  	_ =	shalt  }
0x70: {  	_ =	shalt  }
0x71: {  	_ =	shalt  }
0x72: {  	_ =	shalt  }
0x73: {  	_ =	shalt  }
0x74: {  	_ =	shalt  }
0x75: {  	_ =	shalt  }
0x76: {  	_ =	shalt  }
0x77: {  	_ =	shalt  }
0x78: {  	_ =	shalt  }
0x79: {  	_ =	shalt  }
0x7a: {  	_ =	shalt  }
0x7b: {  	_ =	shalt  }
0x7c: {  	_ =	shalt  }
0x7d: {  	_ =	shalt  }
0x7e: {  	_ =	shalt  }
0x7f: {  	_ =	shalt  }
0x80: {  	_ =	shalt  }
0x81: {  	_ =	shalt  }
0x82: {  	_ =	shalt  }
0x83: {  	_ =	shalt  }
0x84: {  	_ =	shalt  }
0x85: {  	_ =	shalt  }
0x86: {  	_ =	shalt  }
0x87: {  	_ =	shalt  }
.Lfunc_end0:
.L_simem_size_0:
called_computation.1_lowered:
.L_overlay_start_0:
0x88: {  	s2 =	sld [smem:$0x3FD9]  }
0x89: {  	s3 =	sld [smem:$0x3FFE];
	_ =	sdelay $0x1  }
0x8a: {  	s1 =	srdreg.scid  }
0x8b: {  	s0 =	sand.u32 $0x1, s1  }
0x8c: {  	s14 =	sshll.u32 s0, $0xA;
	s2 =	sadd.s32 s3, s2  }
0x8d: {  	s2 =	sadd.s32 s2, s14  }
0x8e: {  	[smem:$0x3FC0] =	sst s2  }
0x8f: {  	_ = 	snop  }
0x90: {  	s2 =	sld [smem:$0x3FD0];
	_ =	sdelay $0x2  }
0x91: {  	s15 =	simm.s32 $0xA;
	s4 =	simm.s32 $0x10  }
0x92: {  	[smem:s4], [sflag:s15] =	dma.local [hbm:s2], $0x1  }
0x93: {  	_ =	swait.eq [sflag:s15], $0x1  }
0x94: {  	[sflag:s15] =	ssyncset.done $0x0  }
0x95: {  	s16 =	sld [smem:$0x11];
	[sflag:s15] =	ssyncadd.s32 $0xFFFFFFFF  }
0x96: {  	s17 =	sld [smem:$0x12];
	(tm) =	ssettm $0x1  }
0x97: {  	s18 =	sld [smem:$0x3FFB];
	_ =	sdelay $0x3  }
0x98: {  	_ =	strace s18  }
0x99: {  	s4 =	sld [smem:$0x3FFC];
	_ =	sdelay $0x3  }
0x9a: {  	_ =	strace s4  }
0x9b: {  	s4 =	sld [smem:$0x3FFD];
	_ =	sdelay $0x3  }
0x9c: {  	_ =	strace s4  }
0x9d: {  	_ =	strace $0x8FFFFFFF  }
0x9e: {  	s19 =	sld [smem:$0x3FDB];
	_ =	sdelay $0x1  }
0x9f: {  	s5 =	simm.s32 $_scs_section_size  }
0xa0: {  	s6 =	simm.s32 $_size__tile_overlayer_lowered;
	s7 =	simm.s32 $_tile_overlayer_lowered  }
0xa1: {  	s22 =	simm.s32 $0x1BFF;
	s21 =	sshll.u32 s7, $0x1;
	s4 =	sadd.s32 s5, s19  }
0xa2: {  	s8 =	simm.s32 $0x0;
	s20 =	sshll.u32 s6, $0x1;
	s6 =	sadd.s32 s21, s4  }
0xa3: {  	[timem:s8], [sflag:s22] =	dma.local [hbm:s6], s20  }
0xa4: {  	_ =	swait.ge [sflag:s22], s20  }
0xa5: {  	s5 =	ssub.s32 $0x0, s20;
	[sflag:s22] =	ssyncset.done $0x0  }
0xa6: {  	[sflag:s22] =	ssyncadd.s32 s5;
	_ =	sdelay $0x1  }
0xa7: {  	s23 =	simm.s32 $0x1B8B  }
0xa8: {  	_ =	swait.ge [sflag:s23], $0x1  }
0xa9: {  	[sflag:s23] =	ssyncset.done $0x0  }
0xaa: {  	s25 =	simm.s32 $0x1B8E;
	s24 =	sld [smem:$0x3FFE];
	[sflag:s23] =	ssyncadd.s32 $0xFFFFFFFF  }
0xab: {  	s26 =	simm.s32 $execute0_lowered;
	[smem:$0x3FD2] =	sst s25  }
0xac: {  	s6 =	sshll.u32 s26, $0x1;
	_ =	strace $0x80000049;
	[dreg:$0x1] =	wrdreg $0xFFFFFFFF  }
0xad: {  	s28 =	simm.s32 $_size_execute0_lowered;
	s4 =	sadd.s32 s4, s6;
	[dreg:$0x0] =	wrdreg $0x0  }
0xae: {  	s6 =	sshll.u32 s28, $0x1;
	[dreg:$0x2] =	wrdreg s4  }
0xaf: {  	[dreg:$0x3] =	wrdreg s6  }
0xb0: {  	[dreg:$0x4] =	wrdreg $0xC0  }
0xb1: {  	_ =	task [dreg:s8], $0x5FFFF  }
0xb2: {  	[dreg:$0x1] =	wrdreg $0xFFFFFFFF  }
0xb3: {  	[dreg:$0x0] =	wrdreg $0x60  }
0xb4: {  	[dreg:$0x2] =	wrdreg s24  }
0xb5: {  	[dreg:$0x3] =	wrdreg s16  }
0xb6: {  	[dreg:$0x4] =	wrdreg s17  }
0xb7: {  	[dreg:$0x5] =	wrdreg $0x9E200  }
0xb8: {  	[dreg:$0x6] =	wrdreg $0x9  }
0xb9: {  	_ =	task.clear_ibuf [dreg:s8], $0x7FFFF;
	_ =	strace $0x90000049  }
0xba: {  	s29 =	simm.s32 $0x9;
	_ =	strace $0x8000004B  }
0xbb: {  	_ =	swait.ge [sflag:s29], $0x1  }
0xbc: {  	[sflag:s29] =	ssyncadd.s32 $0xFFFFFFFF  }
0xbd: {  	_ =	strace $0x9000004B  }
0xbe: {  	_ =	sfence  }
0xbf: {  	s30 =	sld [smem:$0x0];
	_ =	sdelay $0x2  }
0xc0: {  	s31 =	sshll.u32 s1, $0xD;
	s1 =	sshrl.u32 s1, $0x2  }
0xc1: {  	s3 =	sand.u32 $0x4000, s31;
	s1 =	sadd.s32 s1, s30  }
0xc2: {  	s0 =	sor.u32 s3, s0;
	s1 =	sshll.u32 s1, $0x11  }
0xc3: {  	s0 =	sor.u32 s1, s0  }
0xc4: {  	s0 =	sadd.s32 $0x8F2B, s0  }
0xc5: {  	[sflag:s0] =	ssyncadd.remote.s32 $0x1  }
0xc6: {  	_ =	sfence.sel $0xFFFF  }
0xc7: {  	[dreg:$0x0] =	wrdreg $0xFFFFFFFF;
	(pc) =	sbr.abs _section_cstart, $3  }
0xc8: {  	[dreg:$0x1] =	wrdreg $0xFFFFFFFF  }
0xc9: {  	_ =	task.clear_ibuf [dreg:s8], $0x2FFFF;
	_ =	strace $0x9FFFFFFF  }
0xca: {  	(tm) =	ssettm $0x7FFFFFFF  }
0xcb: {  	_ =	shalt  }
tec
execute0_lowered:
.L_overlay_start_1:
0x0: {  	(tag) =	ssettag $0x1  }
0x1: {  	s6 =	rddreg [dreg:$0x0]  }
0x2: {  	s7 =	rddreg [dreg:$0x1]  }
0x3: {  	s2 =	rddreg [dreg:$0x2]  }
0x4: {  	s3 =	rddreg [dreg:$0x3]  }
0x5: {  	s0 =	rddreg [dreg:$0x4]  }
0x6: {  	s4 =	simm.s32 $0x0;
	s1 =	stileid.u32;
	s5 =	srdreg.scid  }
0x7: {  	s14 =	simm.s32 $0x50;
	s15 =	simm.s32 $0x4E20;
	s16 =	simm.s32 $0x7620  }
0x8: {  	s17 =	simm.s32 $0x1;
	s18 =	simm.s32 $0x2;
	s19 =	simm.s32 $0x4DD0  }
0x9: {  	s20 =	simm.s32 $0x0;
	[smem:$0x7FF] =	sst s4;
	s8 =	smul.u32 $0x2710, s1  }
0xa: {  	s9 =	sand.u32 $0x1, s5;
	s5 =	sadd.s32 $0x7800, s6;
	s26 =	smul.u32 $0x4E200, s1  }
0xb: {  	s31 =	sshll.u32 s1, $0x6;
	_ =	strace $0x8000004A;
	s10 =	sshll.u32 s9, $0x4  }
0xc: {  	s12 =	smul.u32 $0x27100, s9;
	s9 =	ssub.s32 $0x2, s9;
	s11 =	sshrl.u32 s8, $0x3  }
0xd: {  	s10 =	sor.u32 s1, s10;
	s13 =	sshrl.u32 s9, $0x1;
	s29 =	sshrl.u32 s26, $0x2  }
0xe: {  	s11 =	sadd.s32 s11, s6;
	s10 =	smul.u32 $0x2710, s10;
	s8 =	sadd.s32 s8, s12  }
0xf: {  	s9 =	ssub.s32 s9, s13;
	s30 =	sadd.s32 s29, s3;
	s12 =	sor.u32 $0x1C03, s31  }
0x10: {  	s28 =	sshrl.u32 s8, $0x3;
	s9 =	smax.u32 s9, $0x1;
	s13 =	sshrl.u32 s30, $0x3  }
0x11: {  	s10 =	sadd.s32 s10, s6;
	s6 =	sadd.s32 s7, s28;
	s7 =	sadd.s32 $0x2800, s11  }
0x12: {  	s11 =	simm.s32 $0x2710;
	s8 =	sadd.s32 $0x55A00, s10;
	s10 =	simm.s32 $0x3  }
.LBB2_1:
0x13: {  	[tilespmem:s4], [sflag:$0x3] =	stream.linear.gather [hbm4b:s6+s4], $0x2710, $0x38;
	[tilespmem:$0x1D6A0] =	vst v63  }
0x14: {  	_ =	swait.ge [sflag:s10], $0x2710  }
0x15: {  	[sflag:s10] =	ssyncset.done $0x0  }
0x16: {  	[sflag:s10] =	ssyncadd.s32 $0xFFFFD8F0  }
0x17: {  	[tilespmem:s11], [sflag:$0x3] =	stream.linear.gather [hbm4b:s7+s4], $0x2710, $0x38;
	[tilespmem:$0x1D6A0] =	vst v63  }
0x18: {  	_ =	swait.ge [sflag:s10], $0x2710  }
0x19: {  	[sflag:s10] =	ssyncset.done $0x0  }
0x1a: {  	[sflag:s10] =	ssyncadd.s32 $0xFFFFD8F0  }
0x1b: {  	[spmem:s13], [sflag:s12] =	dma.local [hbm:s2], $0x2710  }
0x1c: {  	_ =	swait.ge [sflag:s10], $0x2710  }
0x1d: {  	[sflag:s10] =	ssyncset.done $0x0  }
0x1e: {  	[sflag:s10] =	ssyncadd.s32 $0xFFFFD8F0  }
0x1f: {  	[bflag:$0x0] =	sbarrier.arrive $0xFFFF  }
0x20: {  	[tilespmem:s15], [sflag:$0x1] =	stream.indirect.gather [hbm4b:s5+s14], $0x80, s4, s14, $0xb8;
	[tilespmem:$0x1D6A0] =	vst v63  }
0x21: {  	s21 =	simm.s32 $0x50  }
0x22: {  	[tilespmem:s16], [sflag:$0x2] =	stream.indirect.gather [hbm4b:s5+s14], $0x80, s21, s14, $0xb8;
	[tilespmem:$0x1D6A0] =	vst v63  }
0x23: {  	_ =	swait.ge [sflag:s17], $0x2800  }
0x24: {  	[sflag:s17] =	ssyncset.done $0x0  }
0x25: {  	s29 =	simm.s32 $0x2710;
	[sflag:s17] =	ssyncadd.s32 $0xFFFFD800  }
0x26: {  	[spmem:s3] =	stream.indirect.scatter.add.f32 [tilespmem:s15], [sflag:$0x3], $0x80, s29, s14, $0xb8;
	[tilespmem:$0x1D6A0] =	vst v63  }
0x27: {  	_ =	swait.ge [sflag:s10], $0x2800  }
0x28: {  	[sflag:s10] =	ssyncset.done $0x0  }
0x29: {  	s30 =	simm.s32 $0xA0;
	[sflag:s10] =	ssyncadd.s32 $0xFFFFD800  }
0x2a: {  	[tilespmem:s15], [sflag:$0x1] =	stream.indirect.gather [hbm4b:s5+s14], $0x80, s30, s14, $0xb8;
	[tilespmem:$0x1D6A0] =	vst v63  }
0x2b: {  	_ =	swait.ge [sflag:s18], $0x2800  }
0x2c: {  	[sflag:s18] =	ssyncset.done $0x0  }
0x2d: {  	s31 =	simm.s32 $0x2760;
	[sflag:s18] =	ssyncadd.s32 $0xFFFFD800  }
0x2e: {  	[spmem:s3] =	stream.indirect.scatter.add.f32 [tilespmem:s16], [sflag:$0x3], $0x80, s31, s14, $0xb8;
	[tilespmem:$0x1D6A0] =	vst v63  }
0x2f: {  	_ =	swait.ge [sflag:s10], $0x2800  }
0x30: {  	s22 =	simm.s32 $0x500;
	s21 =	simm.s32 $0xA0;
	[sflag:s10] =	ssyncset.done $0x0  }
.LBB2_2:
0x31: {  	s23 =	sadd.s32 $0x50, s21  }
0x32: {  	[sflag:s10] =	ssyncadd.s32 $0xFFFFD800;
	s24 =	smov.u32 s22;
	s25 =	sadd.s32 $0x280, s22  }
0x33: {  	[tilespmem:s16], [sflag:$0x2] =	stream.indirect.gather [hbm4b:s5+s14], $0x80, s23, s14, $0xb8;
	[tilespmem:$0x1D6A0] =	vst v63  }
0x34: {  	p0 =	sne.s32 s22, $0x9880;
	_ =	swait.ge [sflag:s17], $0x2800  }
0x35: {  	[sflag:s17] =	ssyncset.done $0x0  }
0x36: {  	s22 =	sadd.s32 $0x2710, s21;
	[sflag:s17] =	ssyncadd.s32 $0xFFFFD800  }
0x37: {  	[spmem:s3] =	stream.indirect.scatter.add.f32 [tilespmem:s15], [sflag:$0x3], $0x80, s22, s14, $0xb8;
	[tilespmem:$0x1D6A0] =	vst v63  }
0x38: {  	_ =	swait.ge [sflag:s10], $0x2800  }
0x39: {  	[sflag:s10] =	ssyncset.done $0x0  }
0x3a: {  	s22 =	sadd.s32 $0xA0, s21;
	[sflag:s10] =	ssyncadd.s32 $0xFFFFD800  }
0x3b: {  	[tilespmem:s15], [sflag:$0x1] =	stream.indirect.gather [hbm4b:s5+s14], $0x80, s22, s14, $0xb8;
	[tilespmem:$0x1D6A0] =	vst v63  }
0x3c: {  	_ =	swait.ge [sflag:s18], $0x2800  }
.Ltmp0:
0x3d: {  	[sflag:s18] =	ssyncset.done $0x0;
	(pc) =	sbr.rel @p0 .LBB2_2-.Ltmp0, $4  }
0x3e: {  	s21 =	sadd.s32 $0x2760, s21;
	[sflag:s18] =	ssyncadd.s32 $0xFFFFD800  }
0x3f: {  	[spmem:s3] =	stream.indirect.scatter.add.f32 [tilespmem:s16], [sflag:$0x3], $0x80, s21, s14, $0xb8;
	[tilespmem:$0x1D6A0] =	vst v63  }
0x40: {  	_ =	swait.ge [sflag:s10], $0x2800  }
0x41: {  	s22 =	smov.u32 s25;
	s21 =	sshra.s32 s24, $0x2;
	[sflag:s10] =	ssyncset.done $0x0  }
0x42: {  	s22 =	sadd.s32 $0x50, s21;
	[sflag:s10] =	ssyncadd.s32 $0xFFFFD800  }
0x43: {  	[tilespmem:s16], [sflag:$0x2] =	stream.indirect.gather [hbm4b:s5+s14], $0x80, s22, s14, $0xb8;
	[tilespmem:$0x1D6A0] =	vst v63  }
0x44: {  	_ =	swait.ge [sflag:s17], $0x2800  }
0x45: {  	[sflag:s17] =	ssyncset.done $0x0  }
0x46: {  	s29 =	sadd.s32 $0x2710, s21;
	[sflag:s17] =	ssyncadd.s32 $0xFFFFD800  }
0x47: {  	[spmem:s3] =	stream.indirect.scatter.add.f32 [tilespmem:s15], [sflag:$0x3], $0x80, s29, s14, $0xb8;
	[tilespmem:$0x1D6A0] =	vst v63  }
0x48: {  	_ =	swait.ge [sflag:s10], $0x2800  }
0x49: {  	[sflag:s10] =	ssyncset.done $0x0  }
0x4a: {  	s30 =	sadd.s32 $0xA0, s21;
	[sflag:s10] =	ssyncadd.s32 $0xFFFFD800  }
0x4b: {  	[tilespmem:s15], [sflag:$0x1] =	stream.indirect.gather [hbm4b:s5+s14], $0x80, s30, s14, $0xb8;
	[tilespmem:$0x1D6A0] =	vst v63  }
0x4c: {  	_ =	swait.ge [sflag:s18], $0x2800  }
0x4d: {  	[sflag:s18] =	ssyncset.done $0x0  }
0x4e: {  	s31 =	sadd.s32 $0x2760, s21;
	[sflag:s18] =	ssyncadd.s32 $0xFFFFD800  }
0x4f: {  	[spmem:s3] =	stream.indirect.scatter.add.f32 [tilespmem:s16], [sflag:$0x3], $0x80, s31, s14, $0xb8;
	[tilespmem:$0x1D6A0] =	vst v63  }
0x50: {  	_ =	swait.ge [sflag:s10], $0x2800  }
0x51: {  	[sflag:s10] =	ssyncset.done $0x0  }
0x52: {  	[sflag:s10] =	ssyncadd.s32 $0xFFFFD800  }
0x53: {  	_ =	swait.ge [sflag:s17], $0x2800  }
0x54: {  	[sflag:s17] =	ssyncset.done $0x0  }
0x55: {  	[sflag:s17] =	ssyncadd.s32 $0xFFFFD800  }
0x56: {  	[spmem:s3] =	stream.indirect.scatter.add.f32 [tilespmem:s15], [sflag:$0x3], $0x80, s19, s14, $0xb8;
	[tilespmem:$0x1D6A0] =	vst v63  }
0x57: {  	_ =	swait.ge [sflag:s10], $0x2800  }
0x58: {  	s20 =	sadd.s32 $0x1, s20;
	[sflag:s10] =	ssyncset.done $0x0  }
0x59: {  	p0 =	sne.s32 s20, s9;
	[sflag:s10] =	ssyncadd.s32 $0xFFFFD800  }
.Ltmp1:
0x5a: {  	[bflag:$0x0] =	sbarrier.arrive $0xFFFF;
	(pc) =	sbr.rel @p0 .LBB2_1-.Ltmp1, $4  }
0x5b: {  	[hbm:s8], [sflag:s12] =	dma.local [spmem:s13], $0x2710  }
0x5c: {  	_ =	swait.ge [sflag:s10], $0x2710  }
0x5d: {  	[sflag:s10] =	ssyncset.done $0x0  }
0x5e: {  	[sflag:s10] =	ssyncadd.s32 $0xFFFFD8F0  }
0x5f: {  	_ =	sfence.sel $0x180000  }
0x60: {  	[bflag:$0x0] =	sbarrier.arrive $0xFFFF  }
0x61: {  	p0 =	sne.s32 s1, $0x0;
	_ =	strace $0x9000004A  }
0x62: {  	s0 =	sadd.s32 @!p0 $0x100000, s0;
	[bflag:$0x2] =	sbarrier.arrive $0xFFFF  }
0x63: {  	[sflag:s0] =	ssyncadd.tile.s32 @!p0 $0x1;
	_ =	shalt  }
.Lfunc_end2:
_tile_overlayer_lowered:
.L_overlay_start_2:
0x64: {  	(tag) =	ssettag $0x2  }
0x65: {  	s0 =	rddreg [dreg:$0x0];
	s2 =	stileid.u32  }
0x66: {  	s1 =	rddreg [dreg:$0x1];
	p0 =	sne.s32 s2, $0x0  }
0x67: {  	s3 =	rddreg [dreg:$0x2];
	[bflag:$0x3] =	sbarrier.arrive $0xFFFF;
	s2 =	simm.s32 @!p0 $0x1C03  }
0x68: {  	[timem:s3], [sflag:s2] =	dma.local @!p0 [hbm:s0], s1  }
0x69: {  	s0 =	simm.s32 @!p0 $0x3  }
0x6a: {  	_ =	swait.ge @!p0 [sflag:s0], s1  }
0x6b: {  	s1 =	ssub.s32 @!p0 $0x0, s1;
	[sflag:s0] =	ssyncset.done @!p0 $0x0  }
0x6c: {  	[sflag:s0] =	ssyncadd.s32 @!p0 s1  }
0x6d: {  	[bflag:$0x3] =	sbarrier.arrive $0xFFFF  }
0x6e: {  	_ =	shalt  }

// kernel: kernel.15.cloned.1.call-start
scs
__scs_entry_jumppad:
0x0: {  	(pc) =	sbr.rel $0x88, $3  }
0x1: {  	(tag) =	ssettag $0x0;
	lr =	simm.s32 $0x1  }
0x2: {  	[smem:$0x3F99] =	sst lr;
	_ =	strace $0xD0000000  }
0x3: {  	_ = 	snop  }
0x4: {  	_ = 	snop  }
0x5: {  	_ = 	snop  }
0x6: {  	_ = 	snop  }
0x7: {  	_ = 	snop  }
__scs_overlays_trampoline_lowered:
0x8: {  	[smem:$0x3FA8] =	sst s0  }
0x9: {  	[smem:$0x3FA9] =	sst s1  }
0xa: {  	[smem:$0x3FAA] =	sst s2  }
0xb: {  	[smem:$0x3FAB] =	sst s3  }
0xc: {  	[smem:$0x3FAC] =	sst s4  }
0xd: {  	[smem:$0x3FAD] =	sst s5  }
0xe: {  	[smem:$0x3FAE] =	sst s6  }
0xf: {  	[smem:$0x3FAF] =	sst s7  }
0x10: {  	[smem:$0x3FB0] =	sst s8  }
0x11: {  	[smem:$0x3FB1] =	sst s9;
	s0 =	simm.s32 @!p0 $0x0  }
0x12: {  	s1 =	sld [smem:$0x3F97];
	s0 =	simm.s32 @p0 $0x1  }
0x13: {  	[smem:$0x3FB2] =	sst s0;
	s0 =	simm.s32 @!p1 $0x0  }
0x14: {  	s2 =	sld [smem:$0x3F96];
	s0 =	simm.s32 @p1 $0x1  }
0x15: {  	[smem:$0x3FB3] =	sst s0;
	s0 =	simm.s32 @!p2 $0x0  }
0x16: {  	s3 =	sld [smem:$0x3FDB];
	s0 =	simm.s32 @p2 $0x1  }
0x17: {  	s4 =	simm.s32 $0x1BF5;
	[smem:$0x3FB5] =	sst s0  }
0x18: {  	s0 =	sld [smem:$0x3F98];
	_ =	swait.ge [sflag:s4], $0x0  }
0x19: {  	s7 =	sld [smem:$0x3F99]  }
0x1a: {  	s8 =	sadd.s32 $0xFFFFE003, lr  }
0x1b: {  	s9 =	sadd.s32 $0xFFFFFEF7, lr;
	s5 =	simm.s32 $0xFFFFFFFF;
	p2 =	slt.u32 s8, $0xFFFFF086  }
0x1c: {  	p1 =	slt.u32 s9, $0xF7A;
	s5 =	simm.s32 @!p2 $0x0  }
0x1d: {  	s5 =	simm.s32 @p1 $0x1;
	p0 =	seq.s32 s7, s2  }
0x1e: {  	s7 =	smul.u32 @!p0 $0xF7A, s2;
	p2 =	seq.s32 @!p0 s5, $0x0  }
0x1f: {  	s9 =	smul.u32 $0xF7A, s1;
	s8 =	simm.s32 @!p0 $0x1BF5;
	p2 =	por !p2, p0  }
0x20: {  	[sflag:s8] =	ssyncset.s32 @!p0 $0xFFFFF086;
	s6 =	sadd.s32 @!p0 s3, s7;
	s7 =	simm.s32 @!p0 $0x108  }
0x21: {  	s3 =	sadd.s32 s3, s9;
	s6 =	sadd.s32 @!p0 $0x88, s6;
	s7 =	simm.s32 @p2 $0x1082  }
0x22: {  	[simem:s7], [sflag:s8] =	dma.local @!p0 [hbm:s6], $0xF7A  }
0x23: {  	s9 =	sor.u32 $0xD0000000, s2;
	s6 =	simm.s32 $0x108;
	_ =	swait.ge @!p0 [sflag:s8], $0x0  }
0x24: {  	s3 =	sadd.s32 $0x88, s3;
	s6 =	simm.s32 @!p1 $0x1082;
	[sflag:s4] =	ssyncset.s32 $0xFFFFF086  }
0x25: {  	[simem:s6], [sflag:s4] =	dma.local [hbm:s3], $0xF7A  }
0x26: {  	[smem:$0x3F99] =	sst s1;
	(tag) =	ssettag s2;
	_ =	strace s9  }
0x27: {  	s1 =	sld [smem:$0x3FA9]  }
0x28: {  	s2 =	sld [smem:$0x3FAA]  }
0x29: {  	s4 =	sld [smem:$0x3FAC]  }
0x2a: {  	p0 =	seq.s32 s5, $0x0;
	s5 =	sld [smem:$0x3FAD]  }
0x2b: {  	s6 =	sld [smem:$0x3FAE]  }
0x2c: {  	s7 =	sld [smem:$0x3FAF]  }
0x2d: {  	s3 =	simm.s32 $0x108;
	s8 =	sld [smem:$0x3FB0]  }
0x2e: {  	s3 =	simm.s32 @!p0 $0x1082;
	s9 =	sld [smem:$0x3FB1]  }
0x2f: {  	lr =	sadd.s32 s0, s3;
	s0 =	sld [smem:$0x3FA8]  }
0x30: {  	s3 =	sld [smem:$0x3FAB]  }
0x31: {  	[smem:$0x3FB4] =	sst s10  }
0x32: {  	s10 =	sld [smem:$0x3FB2];
	_ =	sdelay $0x3  }
0x33: {  	p0 =	seq.s32 s10, $0x1;
	s10 =	sld [smem:$0x3FB4];
	_ =	sdelay $0x3  }
0x34: {  	[smem:$0x3FB4] =	sst s10  }
0x35: {  	s10 =	sld [smem:$0x3FB3];
	_ =	sdelay $0x3  }
0x36: {  	p1 =	seq.s32 s10, $0x1;
	s10 =	sld [smem:$0x3FB4];
	_ =	sdelay $0x3  }
0x37: {  	[smem:$0x3FB4] =	sst s10  }
0x38: {  	s10 =	sld [smem:$0x3FB5]  }
0x39: {  	_ = 	snop;
	(pc) =	sbr.ind lr, $3  }
0x3a: {  	_ = 	snop  }
0x3b: {  	_ = 	snop  }
0x3c: {  	p2 =	seq.s32 s10, $0x1;
	s10 =	sld [smem:$0x3FB4]  }
0x3d: {  	_ =	shalt  }
0x3e: {  	_ =	shalt  }
0x3f: {  	_ =	shalt  }
0x40: {  	_ =	shalt  }
0x41: {  	_ =	shalt  }
0x42: {  	_ =	shalt  }
0x43: {  	_ =	shalt  }
0x44: {  	_ =	shalt  }
0x45: {  	_ =	shalt  }
0x46: {  	_ =	shalt  }
0x47: {  	_ =	shalt  }
0x48: {  	_ =	shalt  }
0x49: {  	_ =	shalt  }
0x4a: {  	_ =	shalt  }
0x4b: {  	_ =	shalt  }
0x4c: {  	_ =	shalt  }
0x4d: {  	_ =	shalt  }
0x4e: {  	_ =	shalt  }
0x4f: {  	_ =	shalt  }
0x50: {  	_ =	shalt  }
0x51: {  	_ =	shalt  }
0x52: {  	_ =	shalt  }
0x53: {  	_ =	shalt  }
0x54: {  	_ =	shalt  }
0x55: {  	_ =	shalt  }
0x56: {  	_ =	shalt  }
0x57: {  	_ =	shalt  }
0x58: {  	_ =	shalt  }
0x59: {  	_ =	shalt  }
0x5a: {  	_ =	shalt  }
0x5b: {  	_ =	shalt  }
0x5c: {  	_ =	shalt  }
0x5d: {  	_ =	shalt  }
0x5e: {  	_ =	shalt  }
0x5f: {  	_ =	shalt  }
0x60: {  	_ =	shalt  }
0x61: {  	_ =	shalt  }
0x62: {  	_ =	shalt  }
0x63: {  	_ =	shalt  }
0x64: {  	_ =	shalt  }
0x65: {  	_ =	shalt  }
0x66: {  	_ =	shalt  }
0x67: {  	_ =	shalt  }
0x68: {  	_ =	shalt  }
0x69: {  	_ =	shalt  }
0x6a: {  	_ =	shalt  }
0x6b: {  	_ =	shalt  }
0x6c: {  	_ =	shalt  }
0x6d: {  	_ =	shalt  }
0x6e: {  	_ =	shalt  }
0x6f: {  	_ =	shalt  }
0x70: {  	_ =	shalt  }
0x71: {  	_ =	shalt  }
0x72: {  	_ =	shalt  }
0x73: {  	_ =	shalt  }
0x74: {  	_ =	shalt  }
0x75: {  	_ =	shalt  }
0x76: {  	_ =	shalt  }
0x77: {  	_ =	shalt  }
0x78: {  	_ =	shalt  }
0x79: {  	_ =	shalt  }
0x7a: {  	_ =	shalt  }
0x7b: {  	_ =	shalt  }
0x7c: {  	_ =	shalt  }
0x7d: {  	_ =	shalt  }
0x7e: {  	_ =	shalt  }
0x7f: {  	_ =	shalt  }
0x80: {  	_ =	shalt  }
0x81: {  	_ =	shalt  }
0x82: {  	_ =	shalt  }
0x83: {  	_ =	shalt  }
0x84: {  	_ =	shalt  }
0x85: {  	_ =	shalt  }
0x86: {  	_ =	shalt  }
0x87: {  	_ =	shalt  }
.Lfunc_end0:
.L_simem_size_0:
called_computation.2_lowered:
.L_overlay_start_0:
0x88: {  	s2 =	sld [smem:$0x3FD9]  }
0x89: {  	s3 =	sld [smem:$0x3FFE];
	_ =	sdelay $0x1  }
0x8a: {  	s1 =	srdreg.scid  }
0x8b: {  	s0 =	sand.u32 $0x1, s1  }
0x8c: {  	s14 =	sshll.u32 s0, $0xA;
	s2 =	sadd.s32 s3, s2  }
0x8d: {  	s2 =	sadd.s32 s2, s14  }
0x8e: {  	[smem:$0x3FC0] =	sst s2  }
0x8f: {  	_ = 	snop  }
0x90: {  	s2 =	sld [smem:$0x3FD0];
	_ =	sdelay $0x2  }
0x91: {  	s15 =	simm.s32 $0xA;
	s4 =	simm.s32 $0x10  }
0x92: {  	[smem:s4], [sflag:s15] =	dma.local [hbm:s2], $0x1  }
0x93: {  	_ =	swait.eq [sflag:s15], $0x1  }
0x94: {  	[sflag:s15] =	ssyncset.done $0x0  }
0x95: {  	s16 =	sld [smem:$0x11];
	[sflag:s15] =	ssyncadd.s32 $0xFFFFFFFF  }
0x96: {  	s17 =	sld [smem:$0x12];
	(tm) =	ssettm $0x1  }
0x97: {  	s18 =	sld [smem:$0x3FFB];
	_ =	sdelay $0x3  }
0x98: {  	_ =	strace s18  }
0x99: {  	s4 =	sld [smem:$0x3FFC];
	_ =	sdelay $0x3  }
0x9a: {  	_ =	strace s4  }
0x9b: {  	s4 =	sld [smem:$0x3FFD];
	_ =	sdelay $0x3  }
0x9c: {  	_ =	strace s4  }
0x9d: {  	_ =	strace $0x8FFFFFFF  }
0x9e: {  	s19 =	sld [smem:$0x3FDB];
	_ =	sdelay $0x1  }
0x9f: {  	s5 =	simm.s32 $_scs_section_size  }
0xa0: {  	s6 =	simm.s32 $_size__tile_overlayer_lowered;
	s7 =	simm.s32 $_tile_overlayer_lowered  }
0xa1: {  	s22 =	simm.s32 $0x1BFF;
	s21 =	sshll.u32 s7, $0x1;
	s4 =	sadd.s32 s5, s19  }
0xa2: {  	s8 =	simm.s32 $0x0;
	s20 =	sshll.u32 s6, $0x1;
	s6 =	sadd.s32 s21, s4  }
0xa3: {  	[timem:s8], [sflag:s22] =	dma.local [hbm:s6], s20  }
0xa4: {  	_ =	swait.ge [sflag:s22], s20  }
0xa5: {  	s5 =	ssub.s32 $0x0, s20;
	[sflag:s22] =	ssyncset.done $0x0  }
0xa6: {  	[sflag:s22] =	ssyncadd.s32 s5;
	_ =	sdelay $0x1  }
0xa7: {  	s23 =	simm.s32 $0x1B8B  }
0xa8: {  	_ =	swait.ge [sflag:s23], $0x1  }
0xa9: {  	[sflag:s23] =	ssyncset.done $0x0  }
0xaa: {  	s25 =	simm.s32 $0x1B8E;
	s24 =	sld [smem:$0x3FFE];
	[sflag:s23] =	ssyncadd.s32 $0xFFFFFFFF  }
0xab: {  	s26 =	simm.s32 $execute0_lowered;
	[smem:$0x3FD2] =	sst s25  }
0xac: {  	s6 =	sshll.u32 s26, $0x1;
	_ =	strace $0x8000004C;
	[dreg:$0x1] =	wrdreg $0xFFFFFFFF  }
0xad: {  	s28 =	simm.s32 $_size_execute0_lowered;
	s4 =	sadd.s32 s4, s6;
	[dreg:$0x0] =	wrdreg $0x0  }
0xae: {  	s6 =	sshll.u32 s28, $0x1;
	[dreg:$0x2] =	wrdreg s4  }
0xaf: {  	[dreg:$0x3] =	wrdreg s6  }
0xb0: {  	[dreg:$0x4] =	wrdreg $0xC0  }
0xb1: {  	_ =	task [dreg:s8], $0x5FFFF  }
0xb2: {  	[dreg:$0x1] =	wrdreg $0xFFFFFFFF  }
0xb3: {  	[dreg:$0x0] =	wrdreg $0x60  }
0xb4: {  	[dreg:$0x2] =	wrdreg s24  }
0xb5: {  	[dreg:$0x3] =	wrdreg s16  }
0xb6: {  	[dreg:$0x4] =	wrdreg s17  }
0xb7: {  	[dreg:$0x5] =	wrdreg $0x9E200  }
0xb8: {  	[dreg:$0x6] =	wrdreg $0x9  }
0xb9: {  	_ =	task.clear_ibuf [dreg:s8], $0x7FFFF;
	_ =	strace $0x9000004C  }
0xba: {  	s29 =	simm.s32 $0x9;
	_ =	strace $0x8000004E  }
0xbb: {  	_ =	swait.ge [sflag:s29], $0x1  }
0xbc: {  	[sflag:s29] =	ssyncadd.s32 $0xFFFFFFFF  }
0xbd: {  	_ =	strace $0x9000004E  }
0xbe: {  	_ =	sfence  }
0xbf: {  	s30 =	sld [smem:$0x0];
	_ =	sdelay $0x2  }
0xc0: {  	s31 =	sshll.u32 s1, $0xD;
	s1 =	sshrl.u32 s1, $0x2  }
0xc1: {  	s3 =	sand.u32 $0x4000, s31;
	s1 =	sadd.s32 s1, s30  }
0xc2: {  	s0 =	sor.u32 s3, s0;
	s1 =	sshll.u32 s1, $0x11  }
0xc3: {  	s0 =	sor.u32 s1, s0  }
0xc4: {  	s0 =	sadd.s32 $0x8F2B, s0  }
0xc5: {  	[sflag:s0] =	ssyncadd.remote.s32 $0x1  }
0xc6: {  	_ =	sfence.sel $0xFFFF  }
0xc7: {  	[dreg:$0x0] =	wrdreg $0xFFFFFFFF;
	(pc) =	sbr.abs _section_cstart, $3  }
0xc8: {  	[dreg:$0x1] =	wrdreg $0xFFFFFFFF  }
0xc9: {  	_ =	task.clear_ibuf [dreg:s8], $0x2FFFF;
	_ =	strace $0x9FFFFFFF  }
0xca: {  	(tm) =	ssettm $0x7FFFFFFF  }
0xcb: {  	_ =	shalt  }
tec
execute0_lowered:
.L_overlay_start_1:
0x0: {  	(tag) =	ssettag $0x1  }
0x1: {  	s6 =	rddreg [dreg:$0x0]  }
0x2: {  	s7 =	rddreg [dreg:$0x1]  }
0x3: {  	s2 =	rddreg [dreg:$0x2]  }
0x4: {  	s3 =	rddreg [dreg:$0x3]  }
0x5: {  	s0 =	rddreg [dreg:$0x4]  }
0x6: {  	s4 =	simm.s32 $0x0;
	s1 =	stileid.u32;
	s5 =	srdreg.scid  }
0x7: {  	s14 =	simm.s32 $0x50;
	s15 =	simm.s32 $0x4E20;
	s16 =	simm.s32 $0x7620  }
0x8: {  	s17 =	simm.s32 $0x1;
	s18 =	simm.s32 $0x2;
	s19 =	simm.s32 $0x4DD0  }
0x9: {  	s20 =	simm.s32 $0x0;
	[smem:$0x7FF] =	sst s4;
	s8 =	smul.u32 $0x2710, s1  }
0xa: {  	s9 =	sand.u32 $0x1, s5;
	s5 =	sadd.s32 $0x7800, s6;
	s26 =	smul.u32 $0x4E200, s1  }
0xb: {  	s31 =	sshll.u32 s1, $0x6;
	_ =	strace $0x8000004D;
	s10 =	sshll.u32 s9, $0x4  }
0xc: {  	s12 =	smul.u32 $0x27100, s9;
	s9 =	ssub.s32 $0x2, s9;
	s11 =	sshrl.u32 s8, $0x3  }
0xd: {  	s10 =	sor.u32 s1, s10;
	s13 =	sshrl.u32 s9, $0x1;
	s29 =	sshrl.u32 s26, $0x2  }
0xe: {  	s11 =	sadd.s32 s11, s6;
	s10 =	smul.u32 $0x2710, s10;
	s8 =	sadd.s32 s8, s12  }
0xf: {  	s9 =	ssub.s32 s9, s13;
	s30 =	sadd.s32 s29, s3;
	s12 =	sor.u32 $0x1C03, s31  }
0x10: {  	s28 =	sshrl.u32 s8, $0x3;
	s9 =	smax.u32 s9, $0x1;
	s13 =	sshrl.u32 s30, $0x3  }
0x11: {  	s10 =	sadd.s32 s10, s6;
	s6 =	sadd.s32 s7, s28;
	s7 =	sadd.s32 $0x2800, s11  }
0x12: {  	s11 =	simm.s32 $0x2710;
	s8 =	sadd.s32 $0x55A00, s10;
	s10 =	simm.s32 $0x3  }
.LBB2_1:
0x13: {  	[tilespmem:s4], [sflag:$0x3] =	stream.linear.gather [hbm4b:s6+s4], $0x2710, $0x38;
	[tilespmem:$0x1D6A0] =	vst v63  }
0x14: {  	_ =	swait.ge [sflag:s10], $0x2710  }
0x15: {  	[sflag:s10] =	ssyncset.done $0x0  }
0x16: {  	[sflag:s10] =	ssyncadd.s32 $0xFFFFD8F0  }
0x17: {  	[tilespmem:s11], [sflag:$0x3] =	stream.linear.gather [hbm4b:s7+s4], $0x2710, $0x38;
	[tilespmem:$0x1D6A0] =	vst v63  }
0x18: {  	_ =	swait.ge [sflag:s10], $0x2710  }
0x19: {  	[sflag:s10] =	ssyncset.done $0x0  }
0x1a: {  	[sflag:s10] =	ssyncadd.s32 $0xFFFFD8F0  }
0x1b: {  	[spmem:s13], [sflag:s12] =	dma.local [hbm:s2], $0x2710  }
0x1c: {  	_ =	swait.ge [sflag:s10], $0x2710  }
0x1d: {  	[sflag:s10] =	ssyncset.done $0x0  }
0x1e: {  	[sflag:s10] =	ssyncadd.s32 $0xFFFFD8F0  }
0x1f: {  	[bflag:$0x0] =	sbarrier.arrive $0xFFFF  }
0x20: {  	[tilespmem:s15], [sflag:$0x1] =	stream.indirect.gather [hbm4b:s5+s14], $0x80, s4, s14, $0xb8;
	[tilespmem:$0x1D6A0] =	vst v63  }
0x21: {  	s21 =	simm.s32 $0x50  }
0x22: {  	[tilespmem:s16], [sflag:$0x2] =	stream.indirect.gather [hbm4b:s5+s14], $0x80, s21, s14, $0xb8;
	[tilespmem:$0x1D6A0] =	vst v63  }
0x23: {  	_ =	swait.ge [sflag:s17], $0x2800  }
0x24: {  	[sflag:s17] =	ssyncset.done $0x0  }
0x25: {  	s29 =	simm.s32 $0x2710;
	[sflag:s17] =	ssyncadd.s32 $0xFFFFD800  }
0x26: {  	[spmem:s3] =	stream.indirect.scatter.add.f32 [tilespmem:s15], [sflag:$0x3], $0x80, s29, s14, $0xb8;
	[tilespmem:$0x1D6A0] =	vst v63  }
0x27: {  	_ =	swait.ge [sflag:s10], $0x2800  }
0x28: {  	[sflag:s10] =	ssyncset.done $0x0  }
0x29: {  	s30 =	simm.s32 $0xA0;
	[sflag:s10] =	ssyncadd.s32 $0xFFFFD800  }
0x2a: {  	[tilespmem:s15], [sflag:$0x1] =	stream.indirect.gather [hbm4b:s5+s14], $0x80, s30, s14, $0xb8;
	[tilespmem:$0x1D6A0] =	vst v63  }
0x2b: {  	_ =	swait.ge [sflag:s18], $0x2800  }
0x2c: {  	[sflag:s18] =	ssyncset.done $0x0  }
0x2d: {  	s31 =	simm.s32 $0x2760;
	[sflag:s18] =	ssyncadd.s32 $0xFFFFD800  }
0x2e: {  	[spmem:s3] =	stream.indirect.scatter.add.f32 [tilespmem:s16], [sflag:$0x3], $0x80, s31, s14, $0xb8;
	[tilespmem:$0x1D6A0] =	vst v63  }
0x2f: {  	_ =	swait.ge [sflag:s10], $0x2800  }
0x30: {  	s22 =	simm.s32 $0x500;
	s21 =	simm.s32 $0xA0;
	[sflag:s10] =	ssyncset.done $0x0  }
.LBB2_2:
0x31: {  	s23 =	sadd.s32 $0x50, s21  }
0x32: {  	[sflag:s10] =	ssyncadd.s32 $0xFFFFD800;
	s24 =	smov.u32 s22;
	s25 =	sadd.s32 $0x280, s22  }
0x33: {  	[tilespmem:s16], [sflag:$0x2] =	stream.indirect.gather [hbm4b:s5+s14], $0x80, s23, s14, $0xb8;
	[tilespmem:$0x1D6A0] =	vst v63  }
0x34: {  	p0 =	sne.s32 s22, $0x9880;
	_ =	swait.ge [sflag:s17], $0x2800  }
0x35: {  	[sflag:s17] =	ssyncset.done $0x0  }
0x36: {  	s22 =	sadd.s32 $0x2710, s21;
	[sflag:s17] =	ssyncadd.s32 $0xFFFFD800  }
0x37: {  	[spmem:s3] =	stream.indirect.scatter.add.f32 [tilespmem:s15], [sflag:$0x3], $0x80, s22, s14, $0xb8;
	[tilespmem:$0x1D6A0] =	vst v63  }
0x38: {  	_ =	swait.ge [sflag:s10], $0x2800  }
0x39: {  	[sflag:s10] =	ssyncset.done $0x0  }
0x3a: {  	s22 =	sadd.s32 $0xA0, s21;
	[sflag:s10] =	ssyncadd.s32 $0xFFFFD800  }
0x3b: {  	[tilespmem:s15], [sflag:$0x1] =	stream.indirect.gather [hbm4b:s5+s14], $0x80, s22, s14, $0xb8;
	[tilespmem:$0x1D6A0] =	vst v63  }
0x3c: {  	_ =	swait.ge [sflag:s18], $0x2800  }
.Ltmp0:
0x3d: {  	[sflag:s18] =	ssyncset.done $0x0;
	(pc) =	sbr.rel @p0 .LBB2_2-.Ltmp0, $4  }
0x3e: {  	s21 =	sadd.s32 $0x2760, s21;
	[sflag:s18] =	ssyncadd.s32 $0xFFFFD800  }
0x3f: {  	[spmem:s3] =	stream.indirect.scatter.add.f32 [tilespmem:s16], [sflag:$0x3], $0x80, s21, s14, $0xb8;
	[tilespmem:$0x1D6A0] =	vst v63  }
0x40: {  	_ =	swait.ge [sflag:s10], $0x2800  }
0x41: {  	s22 =	smov.u32 s25;
	s21 =	sshra.s32 s24, $0x2;
	[sflag:s10] =	ssyncset.done $0x0  }
0x42: {  	s22 =	sadd.s32 $0x50, s21;
	[sflag:s10] =	ssyncadd.s32 $0xFFFFD800  }
0x43: {  	[tilespmem:s16], [sflag:$0x2] =	stream.indirect.gather [hbm4b:s5+s14], $0x80, s22, s14, $0xb8;
	[tilespmem:$0x1D6A0] =	vst v63  }
0x44: {  	_ =	swait.ge [sflag:s17], $0x2800  }
0x45: {  	[sflag:s17] =	ssyncset.done $0x0  }
0x46: {  	s29 =	sadd.s32 $0x2710, s21;
	[sflag:s17] =	ssyncadd.s32 $0xFFFFD800  }
0x47: {  	[spmem:s3] =	stream.indirect.scatter.add.f32 [tilespmem:s15], [sflag:$0x3], $0x80, s29, s14, $0xb8;
	[tilespmem:$0x1D6A0] =	vst v63  }
0x48: {  	_ =	swait.ge [sflag:s10], $0x2800  }
0x49: {  	[sflag:s10] =	ssyncset.done $0x0  }
0x4a: {  	s30 =	sadd.s32 $0xA0, s21;
	[sflag:s10] =	ssyncadd.s32 $0xFFFFD800  }
0x4b: {  	[tilespmem:s15], [sflag:$0x1] =	stream.indirect.gather [hbm4b:s5+s14], $0x80, s30, s14, $0xb8;
	[tilespmem:$0x1D6A0] =	vst v63  }
0x4c: {  	_ =	swait.ge [sflag:s18], $0x2800  }
0x4d: {  	[sflag:s18] =	ssyncset.done $0x0  }
0x4e: {  	s31 =	sadd.s32 $0x2760, s21;
	[sflag:s18] =	ssyncadd.s32 $0xFFFFD800  }
0x4f: {  	[spmem:s3] =	stream.indirect.scatter.add.f32 [tilespmem:s16], [sflag:$0x3], $0x80, s31, s14, $0xb8;
	[tilespmem:$0x1D6A0] =	vst v63  }
0x50: {  	_ =	swait.ge [sflag:s10], $0x2800  }
0x51: {  	[sflag:s10] =	ssyncset.done $0x0  }
0x52: {  	[sflag:s10] =	ssyncadd.s32 $0xFFFFD800  }
0x53: {  	_ =	swait.ge [sflag:s17], $0x2800  }
0x54: {  	[sflag:s17] =	ssyncset.done $0x0  }
0x55: {  	[sflag:s17] =	ssyncadd.s32 $0xFFFFD800  }
0x56: {  	[spmem:s3] =	stream.indirect.scatter.add.f32 [tilespmem:s15], [sflag:$0x3], $0x80, s19, s14, $0xb8;
	[tilespmem:$0x1D6A0] =	vst v63  }
0x57: {  	_ =	swait.ge [sflag:s10], $0x2800  }
0x58: {  	s20 =	sadd.s32 $0x1, s20;
	[sflag:s10] =	ssyncset.done $0x0  }
0x59: {  	p0 =	sne.s32 s20, s9;
	[sflag:s10] =	ssyncadd.s32 $0xFFFFD800  }
.Ltmp1:
0x5a: {  	[bflag:$0x0] =	sbarrier.arrive $0xFFFF;
	(pc) =	sbr.rel @p0 .LBB2_1-.Ltmp1, $4  }
0x5b: {  	[hbm:s8], [sflag:s12] =	dma.local [spmem:s13], $0x2710  }
0x5c: {  	_ =	swait.ge [sflag:s10], $0x2710  }
0x5d: {  	[sflag:s10] =	ssyncset.done $0x0  }
0x5e: {  	[sflag:s10] =	ssyncadd.s32 $0xFFFFD8F0  }
0x5f: {  	_ =	sfence.sel $0x180000  }
0x60: {  	[bflag:$0x0] =	sbarrier.arrive $0xFFFF  }
0x61: {  	p0 =	sne.s32 s1, $0x0;
	_ =	strace $0x9000004D  }
0x62: {  	s0 =	sadd.s32 @!p0 $0x100000, s0;
	[bflag:$0x2] =	sbarrier.arrive $0xFFFF  }
0x63: {  	[sflag:s0] =	ssyncadd.tile.s32 @!p0 $0x1;
	_ =	shalt  }
.Lfunc_end2:
_tile_overlayer_lowered:
.L_overlay_start_2:
0x64: {  	(tag) =	ssettag $0x2  }
0x65: {  	s0 =	rddreg [dreg:$0x0];
	s2 =	stileid.u32  }
0x66: {  	s1 =	rddreg [dreg:$0x1];
	p0 =	sne.s32 s2, $0x0  }
0x67: {  	s3 =	rddreg [dreg:$0x2];
	[bflag:$0x3] =	sbarrier.arrive $0xFFFF;
	s2 =	simm.s32 @!p0 $0x1C03  }
0x68: {  	[timem:s3], [sflag:s2] =	dma.local @!p0 [hbm:s0], s1  }
0x69: {  	s0 =	simm.s32 @!p0 $0x3  }
0x6a: {  	_ =	swait.ge @!p0 [sflag:s0], s1  }
0x6b: {  	s1 =	ssub.s32 @!p0 $0x0, s1;
	[sflag:s0] =	ssyncset.done @!p0 $0x0  }
0x6c: {  	[sflag:s0] =	ssyncadd.s32 @!p0 s1  }
0x6d: {  	[bflag:$0x3] =	sbarrier.arrive $0xFFFF  }
0x6e: {  	_ =	shalt  }

// kernel: kernel.9.cloned.1.call-start
scs
__scs_entry_jumppad:
0x0: {  	(pc) =	sbr.rel $0x88, $3  }
0x1: {  	(tag) =	ssettag $0x0;
	lr =	simm.s32 $0x1  }
0x2: {  	[smem:$0x3F99] =	sst lr;
	_ =	strace $0xD0000000  }
0x3: {  	_ = 	snop  }
0x4: {  	_ = 	snop  }
0x5: {  	_ = 	snop  }
0x6: {  	_ = 	snop  }
0x7: {  	_ = 	snop  }
__scs_overlays_trampoline_lowered:
0x8: {  	[smem:$0x3FA8] =	sst s0  }
0x9: {  	[smem:$0x3FA9] =	sst s1  }
0xa: {  	[smem:$0x3FAA] =	sst s2  }
0xb: {  	[smem:$0x3FAB] =	sst s3  }
0xc: {  	[smem:$0x3FAC] =	sst s4  }
0xd: {  	[smem:$0x3FAD] =	sst s5  }
0xe: {  	[smem:$0x3FAE] =	sst s6  }
0xf: {  	[smem:$0x3FAF] =	sst s7  }
0x10: {  	[smem:$0x3FB0] =	sst s8  }
0x11: {  	[smem:$0x3FB1] =	sst s9;
	s0 =	simm.s32 @!p0 $0x0  }
0x12: {  	s1 =	sld [smem:$0x3F97];
	s0 =	simm.s32 @p0 $0x1  }
0x13: {  	[smem:$0x3FB2] =	sst s0;
	s0 =	simm.s32 @!p1 $0x0  }
0x14: {  	s2 =	sld [smem:$0x3F96];
	s0 =	simm.s32 @p1 $0x1  }
0x15: {  	[smem:$0x3FB3] =	sst s0;
	s0 =	simm.s32 @!p2 $0x0  }
0x16: {  	s3 =	sld [smem:$0x3FDB];
	s0 =	simm.s32 @p2 $0x1  }
0x17: {  	s4 =	simm.s32 $0x1BF5;
	[smem:$0x3FB5] =	sst s0  }
0x18: {  	s0 =	sld [smem:$0x3F98];
	_ =	swait.ge [sflag:s4], $0x0  }
0x19: {  	s7 =	sld [smem:$0x3F99]  }
0x1a: {  	s8 =	sadd.s32 $0xFFFFE003, lr  }
0x1b: {  	s9 =	sadd.s32 $0xFFFFFEF7, lr;
	s5 =	simm.s32 $0xFFFFFFFF;
	p2 =	slt.u32 s8, $0xFFFFF086  }
0x1c: {  	p1 =	slt.u32 s9, $0xF7A;
	s5 =	simm.s32 @!p2 $0x0  }
0x1d: {  	s5 =	simm.s32 @p1 $0x1;
	p0 =	seq.s32 s7, s2  }
0x1e: {  	s7 =	smul.u32 @!p0 $0xF7A, s2;
	p2 =	seq.s32 @!p0 s5, $0x0  }
0x1f: {  	s9 =	smul.u32 $0xF7A, s1;
	s8 =	simm.s32 @!p0 $0x1BF5;
	p2 =	por !p2, p0  }
0x20: {  	[sflag:s8] =	ssyncset.s32 @!p0 $0xFFFFF086;
	s6 =	sadd.s32 @!p0 s3, s7;
	s7 =	simm.s32 @!p0 $0x108  }
0x21: {  	s3 =	sadd.s32 s3, s9;
	s6 =	sadd.s32 @!p0 $0x88, s6;
	s7 =	simm.s32 @p2 $0x1082  }
0x22: {  	[simem:s7], [sflag:s8] =	dma.local @!p0 [hbm:s6], $0xF7A  }
0x23: {  	s9 =	sor.u32 $0xD0000000, s2;
	s6 =	simm.s32 $0x108;
	_ =	swait.ge @!p0 [sflag:s8], $0x0  }
0x24: {  	s3 =	sadd.s32 $0x88, s3;
	s6 =	simm.s32 @!p1 $0x1082;
	[sflag:s4] =	ssyncset.s32 $0xFFFFF086  }
0x25: {  	[simem:s6], [sflag:s4] =	dma.local [hbm:s3], $0xF7A  }
0x26: {  	[smem:$0x3F99] =	sst s1;
	(tag) =	ssettag s2;
	_ =	strace s9  }
0x27: {  	s1 =	sld [smem:$0x3FA9]  }
0x28: {  	s2 =	sld [smem:$0x3FAA]  }
0x29: {  	s4 =	sld [smem:$0x3FAC]  }
0x2a: {  	p0 =	seq.s32 s5, $0x0;
	s5 =	sld [smem:$0x3FAD]  }
0x2b: {  	s6 =	sld [smem:$0x3FAE]  }
0x2c: {  	s7 =	sld [smem:$0x3FAF]  }
0x2d: {  	s3 =	simm.s32 $0x108;
	s8 =	sld [smem:$0x3FB0]  }
0x2e: {  	s3 =	simm.s32 @!p0 $0x1082;
	s9 =	sld [smem:$0x3FB1]  }
0x2f: {  	lr =	sadd.s32 s0, s3;
	s0 =	sld [smem:$0x3FA8]  }
0x30: {  	s3 =	sld [smem:$0x3FAB]  }
0x31: {  	[smem:$0x3FB4] =	sst s10  }
0x32: {  	s10 =	sld [smem:$0x3FB2];
	_ =	sdelay $0x3  }
0x33: {  	p0 =	seq.s32 s10, $0x1;
	s10 =	sld [smem:$0x3FB4];
	_ =	sdelay $0x3  }
0x34: {  	[smem:$0x3FB4] =	sst s10  }
0x35: {  	s10 =	sld [smem:$0x3FB3];
	_ =	sdelay $0x3  }
0x36: {  	p1 =	seq.s32 s10, $0x1;
	s10 =	sld [smem:$0x3FB4];
	_ =	sdelay $0x3  }
0x37: {  	[smem:$0x3FB4] =	sst s10  }
0x38: {  	s10 =	sld [smem:$0x3FB5]  }
0x39: {  	_ = 	snop;
	(pc) =	sbr.ind lr, $3  }
0x3a: {  	_ = 	snop  }
0x3b: {  	_ = 	snop  }
0x3c: {  	p2 =	seq.s32 s10, $0x1;
	s10 =	sld [smem:$0x3FB4]  }
0x3d: {  	_ =	shalt  }
0x3e: {  	_ =	shalt  }
0x3f: {  	_ =	shalt  }
0x40: {  	_ =	shalt  }
0x41: {  	_ =	shalt  }
0x42: {  	_ =	shalt  }
0x43: {  	_ =	shalt  }
0x44: {  	_ =	shalt  }
0x45: {  	_ =	shalt  }
0x46: {  	_ =	shalt  }
0x47: {  	_ =	shalt  }
0x48: {  	_ =	shalt  }
0x49: {  	_ =	shalt  }
0x4a: {  	_ =	shalt  }
0x4b: {  	_ =	shalt  }
0x4c: {  	_ =	shalt  }
0x4d: {  	_ =	shalt  }
0x4e: {  	_ =	shalt  }
0x4f: {  	_ =	shalt  }
0x50: {  	_ =	shalt  }
0x51: {  	_ =	shalt  }
0x52: {  	_ =	shalt  }
0x53: {  	_ =	shalt  }
0x54: {  	_ =	shalt  }
0x55: {  	_ =	shalt  }
0x56: {  	_ =	shalt  }
0x57: {  	_ =	shalt  }
0x58: {  	_ =	shalt  }
0x59: {  	_ =	shalt  }
0x5a: {  	_ =	shalt  }
0x5b: {  	_ =	shalt  }
0x5c: {  	_ =	shalt  }
0x5d: {  	_ =	shalt  }
0x5e: {  	_ =	shalt  }
0x5f: {  	_ =	shalt  }
0x60: {  	_ =	shalt  }
0x61: {  	_ =	shalt  }
0x62: {  	_ =	shalt  }
0x63: {  	_ =	shalt  }
0x64: {  	_ =	shalt  }
0x65: {  	_ =	shalt  }
0x66: {  	_ =	shalt  }
0x67: {  	_ =	shalt  }
0x68: {  	_ =	shalt  }
0x69: {  	_ =	shalt  }
0x6a: {  	_ =	shalt  }
0x6b: {  	_ =	shalt  }
0x6c: {  	_ =	shalt  }
0x6d: {  	_ =	shalt  }
0x6e: {  	_ =	shalt  }
0x6f: {  	_ =	shalt  }
0x70: {  	_ =	shalt  }
0x71: {  	_ =	shalt  }
0x72: {  	_ =	shalt  }
0x73: {  	_ =	shalt  }
0x74: {  	_ =	shalt  }
0x75: {  	_ =	shalt  }
0x76: {  	_ =	shalt  }
0x77: {  	_ =	shalt  }
0x78: {  	_ =	shalt  }
0x79: {  	_ =	shalt  }
0x7a: {  	_ =	shalt  }
0x7b: {  	_ =	shalt  }
0x7c: {  	_ =	shalt  }
0x7d: {  	_ =	shalt  }
0x7e: {  	_ =	shalt  }
0x7f: {  	_ =	shalt  }
0x80: {  	_ =	shalt  }
0x81: {  	_ =	shalt  }
0x82: {  	_ =	shalt  }
0x83: {  	_ =	shalt  }
0x84: {  	_ =	shalt  }
0x85: {  	_ =	shalt  }
0x86: {  	_ =	shalt  }
0x87: {  	_ =	shalt  }
.Lfunc_end0:
.L_simem_size_0:
called_computation_lowered:
.L_overlay_start_0:
0x88: {  	s2 =	sld [smem:$0x3FD9]  }
0x89: {  	s3 =	sld [smem:$0x3FFE];
	_ =	sdelay $0x1  }
0x8a: {  	s1 =	srdreg.scid  }
0x8b: {  	s0 =	sand.u32 $0x1, s1  }
0x8c: {  	s14 =	sshll.u32 s0, $0xA;
	s2 =	sadd.s32 s3, s2  }
0x8d: {  	s2 =	sadd.s32 s2, s14  }
0x8e: {  	[smem:$0x3FC0] =	sst s2  }
0x8f: {  	_ = 	snop  }
0x90: {  	s2 =	sld [smem:$0x3FD0];
	_ =	sdelay $0x2  }
0x91: {  	s15 =	simm.s32 $0xA;
	s4 =	simm.s32 $0x10  }
0x92: {  	[smem:s4], [sflag:s15] =	dma.local [hbm:s2], $0x1  }
0x93: {  	_ =	swait.eq [sflag:s15], $0x1  }
0x94: {  	[sflag:s15] =	ssyncset.done $0x0  }
0x95: {  	s16 =	sld [smem:$0x10];
	[sflag:s15] =	ssyncadd.s32 $0xFFFFFFFF  }
0x96: {  	s17 =	sld [smem:$0x12];
	(tm) =	ssettm $0x1  }
0x97: {  	s18 =	sld [smem:$0x3FFB];
	_ =	sdelay $0x3  }
0x98: {  	_ =	strace s18  }
0x99: {  	s4 =	sld [smem:$0x3FFC];
	_ =	sdelay $0x3  }
0x9a: {  	_ =	strace s4  }
0x9b: {  	s4 =	sld [smem:$0x3FFD];
	_ =	sdelay $0x3  }
0x9c: {  	_ =	strace s4  }
0x9d: {  	_ =	strace $0x8FFFFFFF  }
0x9e: {  	s19 =	sld [smem:$0x3FDB];
	_ =	sdelay $0x1  }
0x9f: {  	s5 =	simm.s32 $_scs_section_size  }
0xa0: {  	s6 =	simm.s32 $_size__tile_overlayer_lowered;
	s7 =	simm.s32 $_tile_overlayer_lowered  }
0xa1: {  	s22 =	simm.s32 $0x1BFF;
	s21 =	sshll.u32 s7, $0x1;
	s4 =	sadd.s32 s5, s19  }
0xa2: {  	s8 =	simm.s32 $0x0;
	s20 =	sshll.u32 s6, $0x1;
	s6 =	sadd.s32 s21, s4  }
0xa3: {  	[timem:s8], [sflag:s22] =	dma.local [hbm:s6], s20  }
0xa4: {  	_ =	swait.ge [sflag:s22], s20  }
0xa5: {  	s5 =	ssub.s32 $0x0, s20;
	[sflag:s22] =	ssyncset.done $0x0  }
0xa6: {  	[sflag:s22] =	ssyncadd.s32 s5;
	_ =	sdelay $0x1  }
0xa7: {  	s23 =	simm.s32 $0x1B8B  }
0xa8: {  	_ =	swait.ge [sflag:s23], $0x1  }
0xa9: {  	[sflag:s23] =	ssyncset.done $0x0  }
0xaa: {  	s25 =	simm.s32 $0x1B8E;
	s24 =	sld [smem:$0x3FFE];
	[sflag:s23] =	ssyncadd.s32 $0xFFFFFFFF  }
0xab: {  	s26 =	simm.s32 $execute0_lowered;
	[smem:$0x3FD2] =	sst s25  }
0xac: {  	s6 =	sshll.u32 s26, $0x1;
	_ =	strace $0x80000046;
	[dreg:$0x1] =	wrdreg $0xFFFFFFFF  }
0xad: {  	s28 =	simm.s32 $_size_execute0_lowered;
	s4 =	sadd.s32 s4, s6;
	[dreg:$0x0] =	wrdreg $0x0  }
0xae: {  	s6 =	sshll.u32 s28, $0x1;
	[dreg:$0x2] =	wrdreg s4  }
0xaf: {  	[dreg:$0x3] =	wrdreg s6  }
0xb0: {  	[dreg:$0x4] =	wrdreg $0xC0  }
0xb1: {  	_ =	task [dreg:s8], $0x5FFFF  }
0xb2: {  	[dreg:$0x1] =	wrdreg $0xFFFFFFFF  }
0xb3: {  	[dreg:$0x0] =	wrdreg $0x60  }
0xb4: {  	[dreg:$0x2] =	wrdreg s24  }
0xb5: {  	[dreg:$0x3] =	wrdreg s16  }
0xb6: {  	[dreg:$0x4] =	wrdreg s17  }
0xb7: {  	[dreg:$0x5] =	wrdreg $0x16080  }
0xb8: {  	[dreg:$0x6] =	wrdreg $0x9  }
0xb9: {  	_ =	task.clear_ibuf [dreg:s8], $0x7FFFF;
	_ =	strace $0x90000046  }
0xba: {  	s29 =	simm.s32 $0x9;
	_ =	strace $0x80000048  }
0xbb: {  	_ =	swait.ge [sflag:s29], $0x1  }
0xbc: {  	[sflag:s29] =	ssyncadd.s32 $0xFFFFFFFF  }
0xbd: {  	_ =	strace $0x90000048  }
0xbe: {  	_ =	sfence  }
0xbf: {  	s30 =	sld [smem:$0x0];
	_ =	sdelay $0x2  }
0xc0: {  	s31 =	sshll.u32 s1, $0xD;
	s1 =	sshrl.u32 s1, $0x2  }
0xc1: {  	s3 =	sand.u32 $0x4000, s31;
	s1 =	sadd.s32 s1, s30  }
0xc2: {  	s0 =	sor.u32 s3, s0;
	s1 =	sshll.u32 s1, $0x11  }
0xc3: {  	s0 =	sor.u32 s1, s0  }
0xc4: {  	s0 =	sadd.s32 $0x8F2B, s0  }
0xc5: {  	[sflag:s0] =	ssyncadd.remote.s32 $0x1  }
0xc6: {  	_ =	sfence.sel $0xFFFF  }
0xc7: {  	[dreg:$0x0] =	wrdreg $0xFFFFFFFF;
	(pc) =	sbr.abs _section_cstart, $3  }
0xc8: {  	[dreg:$0x1] =	wrdreg $0xFFFFFFFF  }
0xc9: {  	_ =	task.clear_ibuf [dreg:s8], $0x2FFFF;
	_ =	strace $0x9FFFFFFF  }
0xca: {  	(tm) =	ssettm $0x7FFFFFFF  }
0xcb: {  	_ =	shalt  }
tec
execute0_lowered:
.L_overlay_start_1:
0x0: {  	(tag) =	ssettag $0x1  }
0x1: {  	s5 =	rddreg [dreg:$0x0]  }
0x2: {  	s0 =	rddreg [dreg:$0x1]  }
0x3: {  	s1 =	srdreg.scid;
	s7 =	rddreg [dreg:$0x2]  }
0x4: {  	s3 =	rddreg [dreg:$0x3];
	s2 =	stileid.u32  }
0x5: {  	s4 =	simm.s32 $0x0;
	s6 =	sand.u32 $0x1, s1;
	s1 =	rddreg [dreg:$0x4]  }
0x6: {  	s13 =	simm.s32 $0x28;
	s14 =	simm.s32 $0x0;
	[smem:$0x7FF] =	sst s4  }
0x7: {  	s10 =	smul.u32 $0x9C40, s2;
	s31 =	sshll.u32 s2, $0x6;
	s8 =	sshll.u32 s6, $0x4  }
0x8: {  	_ =	strace $0x80000047;
	s6 =	ssub.s32 $0x2, s6;
	s8 =	sor.u32 s2, s8  }
0x9: {  	s11 =	sshrl.u32 s6, $0x1;
	s10 =	sshrl.u32 s10, $0x2;
	s9 =	smul.u32 $0x271, s8  }
0xa: {  	s8 =	smul.u32 $0x4E2, s8;
	s11 =	ssub.s32 s6, s11;
	s12 =	sadd.s32 s10, s3  }
0xb: {  	s10 =	simm.s32 $0x1388;
	s12 =	sshrl.u32 s12, $0x3;
	s9 =	sadd.s32 s9, s5  }
0xc: {  	s5 =	sadd.s32 $0x7800, s5;
	s7 =	sadd.s32 s7, s8;
	s8 =	smax.u32 s11, $0x1  }
0xd: {  	s11 =	sor.u32 $0x1C01, s31;
	s6 =	sadd.s32 $0x2800, s9;
	s9 =	simm.s32 $0x1  }
.LBB2_1:
0xe: {  	[tilespmem:s4], [sflag:$0x1] =	stream.linear.gather [hbm4b:s6+s4], $0x1388, $0x38;
	[tilespmem:$0x3D18] =	vst v63  }
0xf: {  	_ =	swait.ge [sflag:s9], $0x1388  }
0x10: {  	[sflag:s9] =	ssyncset.done $0x0  }
0x11: {  	[sflag:s9] =	ssyncadd.s32 $0xFFFFEC78  }
0x12: {  	[tilespmem:s10], [sflag:$0x1] =	stream.linear.gather [hbm4b:s5+s4], $0x280, $0x38;
	[tilespmem:$0x3D18] =	vst v63  }
0x13: {  	_ =	swait.ge [sflag:s9], $0x280  }
0x14: {  	[sflag:s9] =	ssyncset.done $0x0  }
0x15: {  	[sflag:s9] =	ssyncadd.s32 $0xFFFFFD80  }
0x16: {  	[spmem:s12], [sflag:s11] =	dma.local [hbm:s0], $0x4E2  }
0x17: {  	_ =	swait.ge [sflag:s9], $0x4E2  }
0x18: {  	[sflag:s9] =	ssyncset.done $0x0  }
0x19: {  	[sflag:s9] =	ssyncadd.s32 $0xFFFFFB1E  }
0x1a: {  	s15 =	simm.s32 $0x0;
	[bflag:$0x0] =	sbarrier.arrive $0xFFFF  }
0x1b: {  	[spmem:s3] =	stream.indirect.scatter.add.f32 [tilespmem:s10], [sflag:$0x1], $0x10, s15, s13, $0xb8;
	[tilespmem:$0x3D18] =	vst v63  }
0x1c: {  	_ =	swait.ge [sflag:s9], $0x280  }
0x1d: {  	s15 =	simm.s32 $0xA0;
	[sflag:s9] =	ssyncset.done $0x0  }
.LBB2_2:
0x1e: {  	s16 =	sshra.s32 s15, $0x2;
	[sflag:s9] =	ssyncadd.s32 $0xFFFFFD80;
	p0 =	sne.s32 s15, $0x4D80  }
0x1f: {  	[spmem:s3] =	stream.indirect.scatter.add.f32 [tilespmem:s10], [sflag:$0x1], $0x10, s16, s13, $0xb8;
	[tilespmem:$0x3D18] =	vst v63  }
.Ltmp0:
0x20: {  	_ = 	snop;
	(pc) =	sbr.rel @p0 .LBB2_2-.Ltmp0, $4  }
0x21: {  	_ = 	snop  }
0x22: {  	s15 =	sadd.s32 $0xA0, s15  }
0x23: {  	_ =	swait.ge [sflag:s9], $0x280  }
0x24: {  	[sflag:s9] =	ssyncset.done $0x0  }
0x25: {  	s14 =	sadd.s32 $0x1, s14  }
0x26: {  	[sflag:s9] =	ssyncadd.s32 $0xFFFFFD80;
	p0 =	sne.s32 s14, s8  }
.Ltmp1:
0x27: {  	[bflag:$0x0] =	sbarrier.arrive $0xFFFF;
	(pc) =	sbr.rel @p0 .LBB2_1-.Ltmp1, $4  }
0x28: {  	[hbm:s7], [sflag:s11] =	dma.local [spmem:s12], $0x4E2  }
0x29: {  	_ =	swait.ge [sflag:s9], $0x4E2  }
0x2a: {  	[sflag:s9] =	ssyncset.done $0x0  }
0x2b: {  	[sflag:s9] =	ssyncadd.s32 $0xFFFFFB1E  }
0x2c: {  	_ =	sfence.sel $0x180000  }
0x2d: {  	[bflag:$0x0] =	sbarrier.arrive $0xFFFF  }
0x2e: {  	p0 =	sne.s32 s2, $0x0;
	_ =	strace $0x90000047  }
0x2f: {  	s0 =	sadd.s32 @!p0 $0x100000, s1;
	[bflag:$0x2] =	sbarrier.arrive $0xFFFF  }
0x30: {  	[sflag:s0] =	ssyncadd.tile.s32 @!p0 $0x1;
	_ =	shalt  }
.Lfunc_end2:
_tile_overlayer_lowered:
.L_overlay_start_2:
0x31: {  	(tag) =	ssettag $0x2  }
0x32: {  	s0 =	rddreg [dreg:$0x0];
	s2 =	stileid.u32  }
0x33: {  	s1 =	rddreg [dreg:$0x1];
	p0 =	sne.s32 s2, $0x0  }
0x34: {  	s3 =	rddreg [dreg:$0x2];
	[bflag:$0x3] =	sbarrier.arrive $0xFFFF;
	s2 =	simm.s32 @!p0 $0x1C01  }
0x35: {  	[timem:s3], [sflag:s2] =	dma.local @!p0 [hbm:s0], s1  }
0x36: {  	s0 =	simm.s32 @!p0 $0x1  }
0x37: {  	_ =	swait.ge @!p0 [sflag:s0], s1  }
0x38: {  	s1 =	ssub.s32 @!p0 $0x0, s1;
	[sflag:s0] =	ssyncset.done @!p0 $0x0  }
0x39: {  	[sflag:s0] =	ssyncadd.s32 @!p0 s1  }
0x3a: {  	[bflag:$0x3] =	sbarrier.arrive $0xFFFF  }
0x3b: {  	_ =	shalt  }

</sc_bundles>
